<compile_context>
chip_gen: v7x
topology: tpu7x:2x2x1
jax: 0.10.2.dev20260603
libtpu: 0.0.44.dev20260713+nightly
codegen_flags: <defaults>
</compile_context>

<pallas_src>
import functools

import jax
import jax.numpy as jnp
import numpy as np
from jax import lax
from jax.experimental import pallas as pl
from jax.experimental.pallas import tpu as pltpu
from jax.experimental.pallas import tpu_sc as plsc

N = 2048
NW = 32
BLK = 32
NBLK = N // BLK
L = 16


def _tf2x32(k1v, k2v, c1, c2):
    R0 = [13, 15, 26, 6]
    R1 = [17, 29, 16, 24]
    ks0 = np.asarray(k1v, np.uint32)
    ks1 = np.asarray(k2v, np.uint32)
    ks = [ks0, ks1, (ks0 ^ ks1 ^ np.uint32(0x1BD11BDA)).astype(np.uint32)]
    x0 = (c1.astype(np.uint32) + ks[0]).astype(np.uint32)
    x1 = (c2.astype(np.uint32) + ks[1]).astype(np.uint32)

    def rol(x, d):
        return ((x << np.uint32(d)) | (x >> np.uint32(32 - d))).astype(np.uint32)

    with np.errstate(over="ignore"):
        for i in range(5):
            for r in (R0 if i % 2 == 0 else R1):
                x0 = (x0 + x1).astype(np.uint32)
                x1 = rol(x1, r)
                x1 = (x1 ^ x0).astype(np.uint32)
            x0 = (x0 + ks[(i + 1) % 3]).astype(np.uint32)
            x1 = (x1 + ks[(i + 2) % 3] + np.uint32(i + 1)).astype(np.uint32)
    return x0, x1


def _uniform01(bits):
    f = ((bits >> np.uint32(9)) | np.uint32(0x3F800000)).view(np.float32)
    return np.maximum(np.float32(0.0), (f - np.float32(1.0)).astype(np.float32))


@functools.lru_cache(maxsize=1)
def _constants():
    idx = np.arange(N * N, dtype=np.uint64)
    b1, b2 = _tf2x32(0, 1, (idx >> np.uint64(32)).astype(np.uint32),
                     idx.astype(np.uint32))
    gate = (_uniform01((b1 ^ b2).astype(np.uint32)) <
            np.float32(0.5)).reshape(N, N)
    ii = np.arange(N)
    g = gate & (ii[:, None] > ii[None, :])
    gw = np.zeros((NBLK, N), np.uint32)
    for r in range(BLK):
        gw |= g[r::BLK, :].astype(np.uint32) << r
    kidx = np.arange(N, dtype=np.uint64)
    kb1, kb2 = _tf2x32(0, 2, (kidx >> np.uint64(32)).astype(np.uint32),
                       kidx.astype(np.uint32))
    zb = np.zeros(N, np.uint32)
    ub1, ub2 = _tf2x32(kb1, kb2, zb, zb)
    u = _uniform01((ub1 ^ ub2).astype(np.uint32))
    return gw.view(np.int32).reshape(-1), u


_GW_CONST, _U_CONST = _constants()


def _sc_body(colpx_h, colpy_h, colrad_h, u_h, gw_h,
             outx_h, outy_h,
             colpx, colpy, colrad, uown, gwv, maskbuf, jbuf,
             outv_x, outv_y, sem):
    cid = lax.axis_index("c")
    sid = lax.axis_index("s")
    wid = sid * 2 + cid
    blk_a = wid
    blk_b = NBLK - 1 - wid

    copies = [
        pltpu.async_copy(colpx_h, colpx, sem),
        pltpu.async_copy(colpy_h, colpy, sem),
        pltpu.async_copy(colrad_h, colrad, sem),
        pltpu.async_copy(gw_h.at[pl.ds(blk_a * N, N)],
                         gwv.at[pl.ds(0, N)], sem),
        pltpu.async_copy(gw_h.at[pl.ds(blk_b * N, N)],
                         gwv.at[pl.ds(N, N)], sem),
        pltpu.async_copy(u_h.at[pl.ds(blk_a * BLK, BLK)],
                         uown.at[pl.ds(0, BLK)], sem),
        pltpu.async_copy(u_h.at[pl.ds(blk_b * BLK, BLK)],
                         uown.at[pl.ds(BLK, BLK)], sem),
    ]
    for c in copies:
        c.wait()

    iota = lax.iota(jnp.int32, L)

    def do_block(half, blk):
        base = blk * BLK

        def row_body(r, _):
            i = base + r
            nch = (i + L - 1) // L
            ngrp = (nch + 3) // 4
            isplat = jnp.full((L,), 0, jnp.int32) + i
            bpx = plsc.load_gather(colpx, [isplat])
            bpy = plsc.load_gather(colpy, [isplat])
            brad = plsc.load_gather(colrad, [isplat])
            gbit = jnp.full((L,), 0, jnp.int32) + lax.shift_left(
                jnp.int32(1), r)

            def pa(g, acc):
                for k in range(4):
                    off = g * (4 * L) + k * L
                    px16 = colpx[pl.ds(off, L)]
                    py16 = colpy[pl.ds(off, L)]
                    rad16 = colrad[pl.ds(off, L)]
                    dx = px16 - bpx
                    dy = py16 - bpy
                    d2e = dx * dx + dy * dy + 1e-12
                    rs = rad16 + brad
                    geom = d2e < rs * rs
                    gvec = gwv[pl.ds(half * N + off, L)]
                    gb = (gvec & gbit) != 0
                    m = jnp.where(geom & gb, 1, 0).astype(jnp.int32)
                    maskbuf[pl.ds(off, L)] = m
                    acc = acc + m
                return acc

            cntv = lax.fori_loop(0, ngrp, pa, jnp.zeros((L,), jnp.int32))
            cnt_s = jnp.sum(cntv)

            def pass_b():
                cnt_f = cnt_s.astype(jnp.float32)
                qv = jnp.full((L,), 1.0, jnp.float32) / cnt_f

                tcv = lax.fori_loop(1, cnt_s + 1, lambda k, t: t + qv,
                                    jnp.zeros((L,), jnp.float32))
                lsplat = jnp.full((L,), 0, jnp.int32) + (half * BLK + r)
                uvec = plsc.load_gather(uown, [lsplat])
                rv = tcv * (1.0 - uvec)

                def l2(k, carry):
                    t, m = carry
                    t2 = t + qv
                    m2 = m + jnp.where(t2 < rv, 1, 0).astype(jnp.int32)
                    return t2, m2

                _, mv = lax.fori_loop(1, cnt_s + 1, l2,
                                      (jnp.zeros((L,), jnp.float32),
                                       jnp.zeros((L,), jnp.int32)))
                target_s = jnp.max(mv) + 1

                def gcond(st):
                    g, bacc, _ = st
                    return (g < ngrp) & (bacc < target_s)

                def gbody(st):
                    g, bacc, _ = st
                    off = g * (4 * L)
                    s = (maskbuf[pl.ds(off, L)] +
                         maskbuf[pl.ds(off + L, L)] +
                         maskbuf[pl.ds(off + 2 * L, L)] +
                         maskbuf[pl.ds(off + 3 * L, L)])
                    return g + 1, bacc + jnp.sum(s), bacc

                gend, _, bprev = lax.while_loop(
                    gcond, gbody, (jnp.int32(0), jnp.int32(0), jnp.int32(0)))

                def cond(st):
                    c, bacc, _ = st
                    return (c < 4 * ngrp) & (bacc < target_s)

                def pb(st):
                    c, bacc, jacc = st
                    off = c * L
                    mvec = maskbuf[pl.ds(off, L)]
                    pcs = plsc.cumsum(mvec)
                    ind = ((pcs + bacc) == target_s) & (mvec > 0)
                    jhit = jnp.sum(jnp.where(ind, iota + off, 0))
                    bsum = jnp.sum(mvec)
                    return c + 1, bacc + bsum, jacc + jhit

                _, _, j = lax.while_loop(cond, pb,
                                         ((gend - 1) * 4, bprev, jnp.int32(0)))
                return j

            j_s = lax.cond(cnt_s > 0, pass_b, lambda: jnp.int32(-1))

            lsplat2 = jnp.full((L,), 0, jnp.int32) + (half * BLK + r)
            plsc.store_scatter(jbuf, [lsplat2],
                               jnp.full((L,), 0, jnp.int32) + j_s,
                               mask=iota == 0)
            return 0

        lax.fori_loop(0, BLK, row_body, 0)

        for gch in range(BLK // L):
            lo = half * BLK + gch * L
            jv = jbuf[pl.ds(lo, L)]
            have = jv >= 0
            jc = jnp.maximum(jv, 0)
            pxj = plsc.load_gather(colpx, [jc])
            pyj = plsc.load_gather(colpy, [jc])
            rj = plsc.load_gather(colrad, [jc])
            pxi = colpx[pl.ds(base + gch * L, L)]
            pyi = colpy[pl.ds(base + gch * L, L)]
            ri = colrad[pl.ds(base + gch * L, L)]
            dx = pxj - pxi
            dy = pyj - pyi
            d2e = dx * dx + dy * dy + 1e-12
            bits = plsc.bitcast(d2e, jnp.int32)
            s = plsc.bitcast(
                lax.shift_right_logical(bits, 1) + jnp.int32(0x1FBD1DF5),
                jnp.float32)
            for _ in range(4):
                s = 0.5 * (s + d2e / s)
            depth = (ri + rj) - s
            outv_x[pl.ds(lo, L)] = jnp.where(have, (dx / s) * depth, 0.0)
            outv_y[pl.ds(lo, L)] = jnp.where(have, (dy / s) * depth, 0.0)

        pltpu.sync_copy(outv_x.at[pl.ds(half * BLK, BLK)],
                        outx_h.at[pl.ds(base, BLK)])
        pltpu.sync_copy(outv_y.at[pl.ds(half * BLK, BLK)],
                        outy_h.at[pl.ds(base, BLK)])

    do_block(0, blk_a)
    do_block(1, blk_b)


def kernel(positions, radii):
    gw = jnp.asarray(_GW_CONST)
    u = jnp.asarray(_U_CONST)
    colpx = positions[:, 0]
    colpy = positions[:, 1]

    mesh = plsc.VectorSubcoreMesh(core_axis_name="c", subcore_axis_name="s")
    f = pl.kernel(
        _sc_body,
        out_type=[
            jax.ShapeDtypeStruct((N,), jnp.float32),
            jax.ShapeDtypeStruct((N,), jnp.float32),
        ],
        mesh=mesh,
        compiler_params=pltpu.CompilerParams(needs_layout_passes=False),
        scratch_types=[
            pltpu.VMEM((N,), jnp.float32),
            pltpu.VMEM((N,), jnp.float32),
            pltpu.VMEM((N,), jnp.float32),
            pltpu.VMEM((2 * BLK,), jnp.float32),
            pltpu.VMEM((2 * N,), jnp.int32),
            pltpu.VMEM((N + 4 * L,), jnp.int32),
            pltpu.VMEM((2 * BLK,), jnp.int32),
            pltpu.VMEM((2 * BLK,), jnp.float32),
            pltpu.VMEM((2 * BLK,), jnp.float32),
            pltpu.SemaphoreType.DMA,
        ],
    )
    outx, outy = f(colpx, colpy, radii, u, gw)
    return jnp.stack([outx, outy], axis=1)

# --- scband reference (transcript-rebuilt; emitter-appended) ---
"""Pipeline reference for scband-randomized-collider-77876347011412 (READ-ONLY COPY).

The authoritative reference and input builder live on the scoring server;
editing this copy changes nothing except your own understanding.
"""

import jax, jax.numpy as jnp
import numpy as np

N = 2048


def setup_inputs(seed: int = 0) -> dict:
    key = jax.random.key(seed)
    k1, k2 = jax.random.split(key)
    positions = jax.random.normal(k1, (N, 2), dtype=jnp.float32) * 30.0
    radii = jax.random.uniform(k2, (N,), dtype=jnp.float32) * 2.0 + 0.5
    return {"positions": positions, "radii": radii}


def _forward(positions, radii):
    n = positions.shape[0]
    # pairwise circle_vs_circle contact computation for all body pairs
    diff = positions[None, :, :] - positions[:, None, :]            # [N, N, 2]
    dist = jnp.sqrt(jnp.sum(diff * diff, axis=-1) + 1e-12)          # [N, N]
    rsum = radii[:, None] + radii[None, :]
    depth = rsum - dist                                             # penetration depth
    dirv = diff / dist[..., None]
    pen_vec = dirv * depth[..., None]                               # penetration_vector
    cp = positions[:, None, :] + dirv * (radii[:, None] - depth * 0.5)[..., None]  # contact_point
    ii = jnp.arange(n)
    lower = ii[:, None] > ii[None, :]                               # only i > j pairs (ContactInfo.nan otherwise)
    valid = (depth > 0.0) & lower
    # randomized gating: cond1 = bernoulli(0.5) per pair, update only if cond1 & ~isnan
    gate = jax.random.bernoulli(jax.random.key(1), 0.5, (n, n))
    write = valid & gate
    flat_i = jnp.repeat(ii, n)
    flat_j = jnp.tile(ii, n)
    safe_i = jnp.where(write.reshape(-1), flat_i, n)                # dropped writes routed to dummy row n
    # all_contacts: penetration_vector init zeros, contact_point init NaN; scatter-overwrite updates
    pen_mem = jnp.zeros((n + 1, n, 2), dtype=positions.dtype).at[safe_i, flat_j].set(pen_vec.reshape(-1, 2))[:n]
    cp_mem = jnp.full((n + 1, n, 2), jnp.nan, dtype=positions.dtype).at[safe_i, flat_j].set(cp.reshape(-1, 2))[:n]
    # choose_random_contact per body row
    row_keys = jax.random.split(jax.random.key(2), n)

    def choose(row_cp, row_pen, i, key):
        is_bad = jnp.any(jnp.isnan(row_cp), axis=-1)
        cnt = jnp.sum(~is_bad)
        probs = (~is_bad).astype(jnp.float32) / jnp.maximum(cnt, 1).astype(jnp.float32)
        idx = jax.lax.cond(cnt == 0,
                           lambda: i,
                           lambda: jax.random.choice(key, jnp.arange(n), p=probs))
        return row_pen[idx]

    chosen_pen = jax.vmap(choose)(cp_mem, pen_mem, ii, row_keys)    # [N, 2]
    return chosen_pen


def reference(positions, radii):
    return _forward(positions, radii)

if __name__ == "__main__":
    import jax
    _d = setup_inputs()
    print(jax.jit(kernel)(*tuple(_d.values())))

</pallas_src>

<mosaic_0001>
#map = affine_map<(d0, d1) -> (0)>
module attributes {stable_mosaic.version = 14 : i64} {
  func.func @_sc_body(%arg0: i32, %arg1: i32, %arg2: memref<2048xf32, #tpu.memory_space<hbm>>, %arg3: memref<2048xf32, #tpu.memory_space<hbm>>, %arg4: memref<2048xf32, #tpu.memory_space<hbm>>, %arg5: memref<2048xf32, #tpu.memory_space<hbm>>, %arg6: memref<131072xi32, #tpu.memory_space<hbm>>, %arg7: memref<2048xf32, #tpu.memory_space<hbm>>, %arg8: memref<2048xf32, #tpu.memory_space<hbm>>, %arg9: memref<2048xf32, #tpu.memory_space<vmem>>, %arg10: memref<2048xf32, #tpu.memory_space<vmem>>, %arg11: memref<2048xf32, #tpu.memory_space<vmem>>, %arg12: memref<64xf32, #tpu.memory_space<vmem>>, %arg13: memref<4096xi32, #tpu.memory_space<vmem>>, %arg14: memref<2112xi32, #tpu.memory_space<vmem>>, %arg15: memref<64xi32, #tpu.memory_space<vmem>>, %arg16: memref<64xf32, #tpu.memory_space<vmem>>, %arg17: memref<64xf32, #tpu.memory_space<vmem>>, %arg18: memref<!tpu.dma_semaphore, #tpu.memory_space<semaphore_mem>>) attributes {dimension_semantics = [#tpu.dimension_semantics<core_parallel>, #tpu.dimension_semantics<subcore_parallel>], iteration_bounds = array<i64: 2, 16>, scalar_prefetch = 0 : i64, scratch_operands = 10 : i64, tpu.core_type = #tpu.core_type<sc_vector_subcore>, window_params = [{transform_indices = #map}, {transform_indices = #map}, {transform_indices = #map}, {transform_indices = #map}, {transform_indices = #map}, {transform_indices = #map}, {transform_indices = #map}]} {
    %mul3A = arith.constant 2 : i32
    %mul3A_0 = arith.muli %arg1, %mul3A : i32
    %add3A = arith.addi %mul3A_0, %arg0 : i32
    %sub3A = arith.constant 63 : i32
    %sub3A_1 = arith.subi %sub3A, %add3A : i32
    tpu.enqueue_dma source(%arg2 : memref<2048xf32, #tpu.memory_space<hbm>>) target(%arg9 : memref<2048xf32, #tpu.memory_space<vmem>>) target_semaphore(%arg18 : memref<!tpu.dma_semaphore, #tpu.memory_space<semaphore_mem>>)
    tpu.enqueue_dma source(%arg3 : memref<2048xf32, #tpu.memory_space<hbm>>) target(%arg10 : memref<2048xf32, #tpu.memory_space<vmem>>) target_semaphore(%arg18 : memref<!tpu.dma_semaphore, #tpu.memory_space<semaphore_mem>>)
    tpu.enqueue_dma source(%arg4 : memref<2048xf32, #tpu.memory_space<hbm>>) target(%arg11 : memref<2048xf32, #tpu.memory_space<vmem>>) target_semaphore(%arg18 : memref<!tpu.dma_semaphore, #tpu.memory_space<semaphore_mem>>)
    %mul3A_2 = arith.constant 2048 : i32
    %mul3A_3 = arith.muli %add3A, %mul3A_2 : i32
    %dma_start3A = arith.constant 0 : i32
    %dma_start3A_4 = tpu.memref_slice %arg13[%dma_start3A] : memref<4096xi32, #tpu.memory_space<vmem>> -> memref<2048xi32, #tpu.memory_space<vmem>>
    %dma_start3A_5 = tpu.memref_slice %arg6[%mul3A_3] : memref<131072xi32, #tpu.memory_space<hbm>> -> memref<2048xi32, #tpu.memory_space<hbm>>
    %dma_start3A_6 = arith.constant 0 : i32
    %dma_start3A_7 = tpu.memref_slice %arg13[%dma_start3A_6] : memref<4096xi32, #tpu.memory_space<vmem>> -> memref<2048xi32, #tpu.memory_space<vmem>>
    %dma_start3A_8 = tpu.memref_slice %arg6[%mul3A_3] : memref<131072xi32, #tpu.memory_space<hbm>> -> memref<2048xi32, #tpu.memory_space<hbm>>
    tpu.enqueue_dma source(%dma_start3A_8 : memref<2048xi32, #tpu.memory_space<hbm>>) target(%dma_start3A_7 : memref<2048xi32, #tpu.memory_space<vmem>>) target_semaphore(%arg18 : memref<!tpu.dma_semaphore, #tpu.memory_space<semaphore_mem>>)
    %mul3A_9 = arith.constant 2048 : i32
    %mul3A_10 = arith.muli %sub3A_1, %mul3A_9 : i32
    %dma_start3A_11 = arith.constant 2048 : i32
    %dma_start3A_12 = tpu.memref_slice %arg13[%dma_start3A_11] : memref<4096xi32, #tpu.memory_space<vmem>> -> memref<2048xi32, #tpu.memory_space<vmem>>
    %dma_start3A_13 = tpu.memref_slice %arg6[%mul3A_10] : memref<131072xi32, #tpu.memory_space<hbm>> -> memref<2048xi32, #tpu.memory_space<hbm>>
    %dma_start3A_14 = arith.constant 2048 : i32
    %dma_start3A_15 = tpu.memref_slice %arg13[%dma_start3A_14] : memref<4096xi32, #tpu.memory_space<vmem>> -> memref<2048xi32, #tpu.memory_space<vmem>>
    %dma_start3A_16 = tpu.memref_slice %arg6[%mul3A_10] : memref<131072xi32, #tpu.memory_space<hbm>> -> memref<2048xi32, #tpu.memory_space<hbm>>
    tpu.enqueue_dma source(%dma_start3A_16 : memref<2048xi32, #tpu.memory_space<hbm>>) target(%dma_start3A_15 : memref<2048xi32, #tpu.memory_space<vmem>>) target_semaphore(%arg18 : memref<!tpu.dma_semaphore, #tpu.memory_space<semaphore_mem>>)
    %mul3A_17 = arith.constant 32 : i32
    %mul3A_18 = arith.muli %add3A, %mul3A_17 : i32
    %dma_start3A_19 = arith.constant 0 : i32
    %dma_start3A_20 = tpu.memref_slice %arg12[%dma_start3A_19] : memref<64xf32, #tpu.memory_space<vmem>> -> memref<32xf32, #tpu.memory_space<vmem>>
    %dma_start3A_21 = tpu.memref_slice %arg5[%mul3A_18] : memref<2048xf32, #tpu.memory_space<hbm>> -> memref<32xf32, #tpu.memory_space<hbm>>
    %dma_start3A_22 = arith.constant 0 : i32
    %dma_start3A_23 = tpu.memref_slice %arg12[%dma_start3A_22] : memref<64xf32, #tpu.memory_space<vmem>> -> memref<32xf32, #tpu.memory_space<vmem>>
    %dma_start3A_24 = tpu.memref_slice %arg5[%mul3A_18] : memref<2048xf32, #tpu.memory_space<hbm>> -> memref<32xf32, #tpu.memory_space<hbm>>
    tpu.enqueue_dma source(%dma_start3A_24 : memref<32xf32, #tpu.memory_space<hbm>>) target(%dma_start3A_23 : memref<32xf32, #tpu.memory_space<vmem>>) target_semaphore(%arg18 : memref<!tpu.dma_semaphore, #tpu.memory_space<semaphore_mem>>)
    %mul3A_25 = arith.constant 32 : i32
    %mul3A_26 = arith.muli %sub3A_1, %mul3A_25 : i32
    %dma_start3A_27 = arith.constant 32 : i32
    %dma_start3A_28 = tpu.memref_slice %arg12[%dma_start3A_27] : memref<64xf32, #tpu.memory_space<vmem>> -> memref<32xf32, #tpu.memory_space<vmem>>
    %dma_start3A_29 = tpu.memref_slice %arg5[%mul3A_26] : memref<2048xf32, #tpu.memory_space<hbm>> -> memref<32xf32, #tpu.memory_space<hbm>>
    %dma_start3A_30 = arith.constant 32 : i32
    %dma_start3A_31 = tpu.memref_slice %arg12[%dma_start3A_30] : memref<64xf32, #tpu.memory_space<vmem>> -> memref<32xf32, #tpu.memory_space<vmem>>
    %dma_start3A_32 = tpu.memref_slice %arg5[%mul3A_26] : memref<2048xf32, #tpu.memory_space<hbm>> -> memref<32xf32, #tpu.memory_space<hbm>>
    tpu.enqueue_dma source(%dma_start3A_32 : memref<32xf32, #tpu.memory_space<hbm>>) target(%dma_start3A_31 : memref<32xf32, #tpu.memory_space<vmem>>) target_semaphore(%arg18 : memref<!tpu.dma_semaphore, #tpu.memory_space<semaphore_mem>>)
    tpu.wait_dma2 semaphore(%arg18 : memref<!tpu.dma_semaphore, #tpu.memory_space<semaphore_mem>>) src(%arg2 : memref<2048xf32, #tpu.memory_space<hbm>>) dst(%arg9 : memref<2048xf32, #tpu.memory_space<vmem>>)
    tpu.wait_dma2 semaphore(%arg18 : memref<!tpu.dma_semaphore, #tpu.memory_space<semaphore_mem>>) src(%arg3 : memref<2048xf32, #tpu.memory_space<hbm>>) dst(%arg10 : memref<2048xf32, #tpu.memory_space<vmem>>)
    tpu.wait_dma2 semaphore(%arg18 : memref<!tpu.dma_semaphore, #tpu.memory_space<semaphore_mem>>) src(%arg4 : memref<2048xf32, #tpu.memory_space<hbm>>) dst(%arg11 : memref<2048xf32, #tpu.memory_space<vmem>>)
    %dma_wait3A = arith.constant 0 : i32
    %dma_wait3A_33 = tpu.memref_slice %arg13[%dma_wait3A] : memref<4096xi32, #tpu.memory_space<vmem>> -> memref<2048xi32, #tpu.memory_space<vmem>>
    %dma_wait3A_34 = tpu.memref_slice %arg6[%mul3A_3] : memref<131072xi32, #tpu.memory_space<hbm>> -> memref<2048xi32, #tpu.memory_space<hbm>>
    %dma_wait3A_35 = arith.constant 0 : i32
    %dma_wait3A_36 = tpu.memref_slice %arg13[%dma_wait3A_35] : memref<4096xi32, #tpu.memory_space<vmem>> -> memref<2048xi32, #tpu.memory_space<vmem>>
    %dma_wait3A_37 = tpu.memref_slice %arg6[%mul3A_3] : memref<131072xi32, #tpu.memory_space<hbm>> -> memref<2048xi32, #tpu.memory_space<hbm>>
    tpu.wait_dma2 semaphore(%arg18 : memref<!tpu.dma_semaphore, #tpu.memory_space<semaphore_mem>>) src(%dma_wait3A_37 : memref<2048xi32, #tpu.memory_space<hbm>>) dst(%dma_wait3A_36 : memref<2048xi32, #tpu.memory_space<vmem>>)
    %dma_wait3A_38 = arith.constant 2048 : i32
    %dma_wait3A_39 = tpu.memref_slice %arg13[%dma_wait3A_38] : memref<4096xi32, #tpu.memory_space<vmem>> -> memref<2048xi32, #tpu.memory_space<vmem>>
    %dma_wait3A_40 = tpu.memref_slice %arg6[%mul3A_10] : memref<131072xi32, #tpu.memory_space<hbm>> -> memref<2048xi32, #tpu.memory_space<hbm>>
    %dma_wait3A_41 = arith.constant 2048 : i32
    %dma_wait3A_42 = tpu.memref_slice %arg13[%dma_wait3A_41] : memref<4096xi32, #tpu.memory_space<vmem>> -> memref<2048xi32, #tpu.memory_space<vmem>>
    %dma_wait3A_43 = tpu.memref_slice %arg6[%mul3A_10] : memref<131072xi32, #tpu.memory_space<hbm>> -> memref<2048xi32, #tpu.memory_space<hbm>>
    tpu.wait_dma2 semaphore(%arg18 : memref<!tpu.dma_semaphore, #tpu.memory_space<semaphore_mem>>) src(%dma_wait3A_43 : memref<2048xi32, #tpu.memory_space<hbm>>) dst(%dma_wait3A_42 : memref<2048xi32, #tpu.memory_space<vmem>>)
    %dma_wait3A_44 = arith.constant 0 : i32
    %dma_wait3A_45 = tpu.memref_slice %arg12[%dma_wait3A_44] : memref<64xf32, #tpu.memory_space<vmem>> -> memref<32xf32, #tpu.memory_space<vmem>>
    %dma_wait3A_46 = tpu.memref_slice %arg5[%mul3A_18] : memref<2048xf32, #tpu.memory_space<hbm>> -> memref<32xf32, #tpu.memory_space<hbm>>
    %dma_wait3A_47 = arith.constant 0 : i32
    %dma_wait3A_48 = tpu.memref_slice %arg12[%dma_wait3A_47] : memref<64xf32, #tpu.memory_space<vmem>> -> memref<32xf32, #tpu.memory_space<vmem>>
    %dma_wait3A_49 = tpu.memref_slice %arg5[%mul3A_18] : memref<2048xf32, #tpu.memory_space<hbm>> -> memref<32xf32, #tpu.memory_space<hbm>>
    tpu.wait_dma2 semaphore(%arg18 : memref<!tpu.dma_semaphore, #tpu.memory_space<semaphore_mem>>) src(%dma_wait3A_49 : memref<32xf32, #tpu.memory_space<hbm>>) dst(%dma_wait3A_48 : memref<32xf32, #tpu.memory_space<vmem>>)
    %dma_wait3A_50 = arith.constant 32 : i32
    %dma_wait3A_51 = tpu.memref_slice %arg12[%dma_wait3A_50] : memref<64xf32, #tpu.memory_space<vmem>> -> memref<32xf32, #tpu.memory_space<vmem>>
    %dma_wait3A_52 = tpu.memref_slice %arg5[%mul3A_26] : memref<2048xf32, #tpu.memory_space<hbm>> -> memref<32xf32, #tpu.memory_space<hbm>>
    %dma_wait3A_53 = arith.constant 32 : i32
    %dma_wait3A_54 = tpu.memref_slice %arg12[%dma_wait3A_53] : memref<64xf32, #tpu.memory_space<vmem>> -> memref<32xf32, #tpu.memory_space<vmem>>
    %dma_wait3A_55 = tpu.memref_slice %arg5[%mul3A_26] : memref<2048xf32, #tpu.memory_space<hbm>> -> memref<32xf32, #tpu.memory_space<hbm>>
    tpu.wait_dma2 semaphore(%arg18 : memref<!tpu.dma_semaphore, #tpu.memory_space<semaphore_mem>>) src(%dma_wait3A_55 : memref<32xf32, #tpu.memory_space<hbm>>) dst(%dma_wait3A_54 : memref<32xf32, #tpu.memory_space<vmem>>)
    %iota3A = tpu.iota {dimensions = array<i32: 0>} : vector<16xi32>
    %mul3A_56 = arith.constant 32 : i32
    %mul3A_57 = arith.muli %add3A, %mul3A_56 : i32
    %scan3A = arith.constant 0 : i32
    %scan3A_58 = arith.constant 0 : i32
    %scan3A_59 = arith.constant 32 : i32
    %scan3A_60 = arith.addi %scan3A_58, %scan3A_59 : i32
    %scan3A_61 = arith.constant 1 : i32
    %scan3A_62 = scf.for %scan3A_362 = %scan3A_58 to %scan3A_60 step %scan3A_61 iter_args(%scan3A_363 = %scan3A) -> (i32)  : i32 {
      %add3A_364 = arith.addi %mul3A_57, %scan3A_362 : i32
      %add3A_365 = arith.constant 16 : i32
      %add3A_366 = arith.addi %add3A_364, %add3A_365 : i32
      %sub3A_367 = arith.constant 1 : i32
      %sub3A_368 = arith.subi %add3A_366, %sub3A_367 : i32
      %jit3A_369 = arith.constant 16 : i32
      %div3A_370 = arith.divsi %sub3A_368, %jit3A_369 : i32
      %sign3A = arith.constant 0 : i32
      %sign3A_371 = arith.cmpi sgt, %sub3A_368, %sign3A : i32
      %sign3A_372 = arith.extui %sign3A_371 : i1 to i32
      %sign3A_373 = arith.constant 0 : i32
      %sign3A_374 = arith.cmpi slt, %sub3A_368, %sign3A_373 : i32
      %sign3A_375 = arith.extui %sign3A_374 : i1 to i32
      %sign3A_376 = arith.subi %sign3A_372, %sign3A_375 : i32
      %sign3A_377 = arith.constant 0 : i32
      %sign3A_378 = arith.cmpi sgt, %jit3A_369, %sign3A_377 : i32
      %sign3A_379 = arith.extui %sign3A_378 : i1 to i32
      %sign3A_380 = arith.constant 0 : i32
      %sign3A_381 = arith.cmpi slt, %jit3A_369, %sign3A_380 : i32
      %sign3A_382 = arith.extui %sign3A_381 : i1 to i32
      %sign3A_383 = arith.subi %sign3A_379, %sign3A_382 : i32
      %ne3A = arith.cmpi ne, %sign3A_376, %sign3A_383 : i32
      %rem3A = arith.remsi %sub3A_368, %jit3A_369 : i32
      %ne3A_384 = arith.constant 0 : i32
      %ne3A_385 = arith.cmpi ne, %rem3A, %ne3A_384 : i32
      %and3A = arith.andi %ne3A, %ne3A_385 : i1
      %sub3A_386 = arith.constant 1 : i32
      %sub3A_387 = arith.subi %div3A_370, %sub3A_386 : i32
      %select_n3A_388 = arith.select %and3A, %sub3A_387, %div3A_370 : i32
      %add3A_389 = arith.constant 3 : i32
      %add3A_390 = arith.addi %select_n3A_388, %add3A_389 : i32
      %jit3A_391 = arith.constant 4 : i32
      %div3A_392 = arith.divsi %add3A_390, %jit3A_391 : i32
      %sign3A_393 = arith.constant 0 : i32
      %sign3A_394 = arith.cmpi sgt, %add3A_390, %sign3A_393 : i32
      %sign3A_395 = arith.extui %sign3A_394 : i1 to i32
      %sign3A_396 = arith.constant 0 : i32
      %sign3A_397 = arith.cmpi slt, %add3A_390, %sign3A_396 : i32
      %sign3A_398 = arith.extui %sign3A_397 : i1 to i32
      %sign3A_399 = arith.subi %sign3A_395, %sign3A_398 : i32
      %sign3A_400 = arith.constant 0 : i32
      %sign3A_401 = arith.cmpi sgt, %jit3A_391, %sign3A_400 : i32
      %sign3A_402 = arith.extui %sign3A_401 : i1 to i32
      %sign3A_403 = arith.constant 0 : i32
      %sign3A_404 = arith.cmpi slt, %jit3A_391, %sign3A_403 : i32
      %sign3A_405 = arith.extui %sign3A_404 : i1 to i32
      %sign3A_406 = arith.subi %sign3A_402, %sign3A_405 : i32
      %ne3A_407 = arith.cmpi ne, %sign3A_399, %sign3A_406 : i32
      %rem3A_408 = arith.remsi %add3A_390, %jit3A_391 : i32
      %ne3A_409 = arith.constant 0 : i32
      %ne3A_410 = arith.cmpi ne, %rem3A_408, %ne3A_409 : i32
      %and3A_411 = arith.andi %ne3A_407, %ne3A_410 : i1
      %sub3A_412 = arith.constant 1 : i32
      %sub3A_413 = arith.subi %div3A_392, %sub3A_412 : i32
      %select_n3A_414 = arith.select %and3A_411, %sub3A_413, %div3A_392 : i32
      %broadcast_in_dim3A_415 = arith.constant 0 : i32
      %broadcast_in_dim3A_416 = vector.broadcast %broadcast_in_dim3A_415 : i32 to vector<16xi32>
      %add3A_417 = vector.broadcast %add3A_364 : i32 to vector<16xi32>
      %add3A_418 = arith.addi %broadcast_in_dim3A_416, %add3A_417 : vector<16xi32>
      %gather3A_419 = tpu.vector_load_idx %arg9[%add3A_418] : memref<2048xf32, #tpu.memory_space<vmem>>[vector<16xi32>], vector<16xf32>,
      %gather3A_420 = tpu.vector_load_idx %arg10[%add3A_418] : memref<2048xf32, #tpu.memory_space<vmem>>[vector<16xi32>], vector<16xf32>,
      %gather3A_421 = tpu.vector_load_idx %arg11[%add3A_418] : memref<2048xf32, #tpu.memory_space<vmem>>[vector<16xi32>], vector<16xf32>,
      %broadcast_in_dim3A_422 = arith.constant 0 : i32
      %broadcast_in_dim3A_423 = vector.broadcast %broadcast_in_dim3A_422 : i32 to vector<16xi32>
      %shift_left3A = arith.constant 1 : i32
      %shift_left3A_424 = arith.shli %shift_left3A, %scan3A_362 : i32
      %add3A_425 = vector.broadcast %shift_left3A_424 : i32 to vector<16xi32>
      %add3A_426 = arith.addi %broadcast_in_dim3A_423, %add3A_425 : vector<16xi32>
      %broadcast_in_dim3A_427 = arith.constant 0 : i32
      %broadcast_in_dim3A_428 = vector.broadcast %broadcast_in_dim3A_427 : i32 to vector<16xi32>
      %while3A = arith.constant 0 : i32
      %while3A_429 = arith.subi %select_n3A_414, %while3A : i32
      %while3A_430 = arith.addi %while3A, %while3A_429 : i32
      %while3A_431 = arith.constant 1 : i32
      %while3A_432 = arith.divsi %while3A_429, %while3A_431 : i32
      %while3A_433 = arith.muli %while3A_432, %while3A_431 : i32
      %while3A_434 = arith.addi %while3A, %while3A_433 : i32
      %while3A_435 = arith.constant 1 : i32
      %while3A_436 = scf.for %while3A_458 = %while3A to %while3A_434 step %while3A_435 iter_args(%while3A_459 = %broadcast_in_dim3A_428) -> (vector<16xi32>)  : i32 {
        %mul3A_460 = arith.constant 64 : i32
        %mul3A_461 = arith.muli %while3A_458, %mul3A_460 : i32
        %add3A_462 = arith.constant 0 : i32
        %add3A_463 = arith.addi %mul3A_461, %add3A_462 : i32
        %get3A_464 = arith.index_cast %add3A_463 : i32 to index
        %get3A_465 = tpu.vector_load %arg9[%get3A_464] {strides = array<i32>} : memref<2048xf32, #tpu.memory_space<vmem>>, vector<16xf32>,
        %get3A_466 = arith.index_cast %add3A_463 : i32 to index
        %get3A_467 = tpu.vector_load %arg10[%get3A_466] {strides = array<i32>} : memref<2048xf32, #tpu.memory_space<vmem>>, vector<16xf32>,
        %get3A_468 = arith.index_cast %add3A_463 : i32 to index
        %get3A_469 = tpu.vector_load %arg11[%get3A_468] {strides = array<i32>} : memref<2048xf32, #tpu.memory_space<vmem>>, vector<16xf32>,
        %sub3A_470 = arith.subf %get3A_465, %gather3A_419 : vector<16xf32>
        %sub3A_471 = arith.subf %get3A_467, %gather3A_420 : vector<16xf32>
        %mul3A_472 = arith.mulf %sub3A_470, %sub3A_470 : vector<16xf32>
        %mul3A_473 = arith.mulf %sub3A_471, %sub3A_471 : vector<16xf32>
        %add3A_474 = arith.addf %mul3A_472, %mul3A_473 : vector<16xf32>
        %add3A_475 = arith.constant 9.99999996E-13 : f32
        %add3A_476 = vector.broadcast %add3A_475 : f32 to vector<16xf32>
        %add3A_477 = arith.addf %add3A_474, %add3A_476 : vector<16xf32>
        %add3A_478 = arith.addf %get3A_469, %gather3A_421 : vector<16xf32>
        %mul3A_479 = arith.mulf %add3A_478, %add3A_478 : vector<16xf32>
        %lt3A = arith.cmpf olt, %add3A_477, %mul3A_479 : vector<16xf32>
        %add3A_480 = arith.constant 0 : i32
        %add3A_481 = arith.addi %add3A_480, %add3A_463 : i32
        %get3A_482 = arith.index_cast %add3A_481 : i32 to index
        %get3A_483 = tpu.vector_load %arg13[%get3A_482] {strides = array<i32>} : memref<4096xi32, #tpu.memory_space<vmem>>, vector<16xi32>,
        %and3A_484 = arith.andi %get3A_483, %add3A_426 : vector<16xi32>
        %ne3A_485 = arith.constant 0 : i32
        %ne3A_486 = vector.broadcast %ne3A_485 : i32 to vector<16xi32>
        %ne3A_487 = arith.cmpi ne, %and3A_484, %ne3A_486 : vector<16xi32>
        %and3A_488 = arith.andi %lt3A, %ne3A_487 : vector<16xi1>
        %jit3A_489 = arith.constant 1 : i32
        %jit3A_490 = arith.constant 0 : i32
        %broadcast_in_dim3A_491 = vector.broadcast %jit3A_489 : i32 to vector<16xi32>
        %broadcast_in_dim3A_492 = vector.broadcast %jit3A_490 : i32 to vector<16xi32>
        %select_n3A_493 = arith.select %and3A_488, %broadcast_in_dim3A_491, %broadcast_in_dim3A_492 : vector<16xi1>, vector<16xi32>
        %swap3A_494 = arith.index_cast %add3A_463 : i32 to index
        %swap3A_495 = tpu.vector_load %arg14[%swap3A_494] {strides = array<i32>} : memref<2112xi32, #tpu.memory_space<vmem>>, vector<16xi32>,
        tpu.vector_store %arg14[%swap3A_494], %select_n3A_493 {strides = array<i32>} : memref<2112xi32, #tpu.memory_space<vmem>>, vector<16xi32>,
        %add3A_496 = arith.addi %while3A_459, %select_n3A_493 : vector<16xi32>
        %mul3A_497 = arith.constant 64 : i32
        %mul3A_498 = arith.muli %while3A_458, %mul3A_497 : i32
        %add3A_499 = arith.constant 16 : i32
        %add3A_500 = arith.addi %mul3A_498, %add3A_499 : i32
        %get3A_501 = arith.index_cast %add3A_500 : i32 to index
        %get3A_502 = tpu.vector_load %arg9[%get3A_501] {strides = array<i32>} : memref<2048xf32, #tpu.memory_space<vmem>>, vector<16xf32>,
        %get3A_503 = arith.index_cast %add3A_500 : i32 to index
        %get3A_504 = tpu.vector_load %arg10[%get3A_503] {strides = array<i32>} : memref<2048xf32, #tpu.memory_space<vmem>>, vector<16xf32>,
        %get3A_505 = arith.index_cast %add3A_500 : i32 to index
        %get3A_506 = tpu.vector_load %arg11[%get3A_505] {strides = array<i32>} : memref<2048xf32, #tpu.memory_space<vmem>>, vector<16xf32>,
        %sub3A_507 = arith.subf %get3A_502, %gather3A_419 : vector<16xf32>
        %sub3A_508 = arith.subf %get3A_504, %gather3A_420 : vector<16xf32>
        %mul3A_509 = arith.mulf %sub3A_507, %sub3A_507 : vector<16xf32>
        %mul3A_510 = arith.mulf %sub3A_508, %sub3A_508 : vector<16xf32>
        %add3A_511 = arith.addf %mul3A_509, %mul3A_510 : vector<16xf32>
        %add3A_512 = arith.constant 9.99999996E-13 : f32
        %add3A_513 = vector.broadcast %add3A_512 : f32 to vector<16xf32>
        %add3A_514 = arith.addf %add3A_511, %add3A_513 : vector<16xf32>
        %add3A_515 = arith.addf %get3A_506, %gather3A_421 : vector<16xf32>
        %mul3A_516 = arith.mulf %add3A_515, %add3A_515 : vector<16xf32>
        %lt3A_517 = arith.cmpf olt, %add3A_514, %mul3A_516 : vector<16xf32>
        %add3A_518 = arith.constant 0 : i32
        %add3A_519 = arith.addi %add3A_518, %add3A_500 : i32
        %get3A_520 = arith.index_cast %add3A_519 : i32 to index
        %get3A_521 = tpu.vector_load %arg13[%get3A_520] {strides = array<i32>} : memref<4096xi32, #tpu.memory_space<vmem>>, vector<16xi32>,
        %and3A_522 = arith.andi %get3A_521, %add3A_426 : vector<16xi32>
        %ne3A_523 = arith.constant 0 : i32
        %ne3A_524 = vector.broadcast %ne3A_523 : i32 to vector<16xi32>
        %ne3A_525 = arith.cmpi ne, %and3A_522, %ne3A_524 : vector<16xi32>
        %and3A_526 = arith.andi %lt3A_517, %ne3A_525 : vector<16xi1>
        %jit3A_527 = arith.constant 1 : i32
        %jit3A_528 = arith.constant 0 : i32
        %broadcast_in_dim3A_529 = vector.broadcast %jit3A_527 : i32 to vector<16xi32>
        %broadcast_in_dim3A_530 = vector.broadcast %jit3A_528 : i32 to vector<16xi32>
        %select_n3A_531 = arith.select %and3A_526, %broadcast_in_dim3A_529, %broadcast_in_dim3A_530 : vector<16xi1>, vector<16xi32>
        %swap3A_532 = arith.index_cast %add3A_500 : i32 to index
        %swap3A_533 = tpu.vector_load %arg14[%swap3A_532] {strides = array<i32>} : memref<2112xi32, #tpu.memory_space<vmem>>, vector<16xi32>,
        tpu.vector_store %arg14[%swap3A_532], %select_n3A_531 {strides = array<i32>} : memref<2112xi32, #tpu.memory_space<vmem>>, vector<16xi32>,
        %add3A_534 = arith.addi %add3A_496, %select_n3A_531 : vector<16xi32>
        %mul3A_535 = arith.constant 64 : i32
        %mul3A_536 = arith.muli %while3A_458, %mul3A_535 : i32
        %add3A_537 = arith.constant 32 : i32
        %add3A_538 = arith.addi %mul3A_536, %add3A_537 : i32
        %get3A_539 = arith.index_cast %add3A_538 : i32 to index
        %get3A_540 = tpu.vector_load %arg9[%get3A_539] {strides = array<i32>} : memref<2048xf32, #tpu.memory_space<vmem>>, vector<16xf32>,
        %get3A_541 = arith.index_cast %add3A_538 : i32 to index
        %get3A_542 = tpu.vector_load %arg10[%get3A_541] {strides = array<i32>} : memref<2048xf32, #tpu.memory_space<vmem>>, vector<16xf32>,
        %get3A_543 = arith.index_cast %add3A_538 : i32 to index
        %get3A_544 = tpu.vector_load %arg11[%get3A_543] {strides = array<i32>} : memref<2048xf32, #tpu.memory_space<vmem>>, vector<16xf32>,
        %sub3A_545 = arith.subf %get3A_540, %gather3A_419 : vector<16xf32>
        %sub3A_546 = arith.subf %get3A_542, %gather3A_420 : vector<16xf32>
        %mul3A_547 = arith.mulf %sub3A_545, %sub3A_545 : vector<16xf32>
        %mul3A_548 = arith.mulf %sub3A_546, %sub3A_546 : vector<16xf32>
        %add3A_549 = arith.addf %mul3A_547, %mul3A_548 : vector<16xf32>
        %add3A_550 = arith.constant 9.99999996E-13 : f32
        %add3A_551 = vector.broadcast %add3A_550 : f32 to vector<16xf32>
        %add3A_552 = arith.addf %add3A_549, %add3A_551 : vector<16xf32>
        %add3A_553 = arith.addf %get3A_544, %gather3A_421 : vector<16xf32>
        %mul3A_554 = arith.mulf %add3A_553, %add3A_553 : vector<16xf32>
        %lt3A_555 = arith.cmpf olt, %add3A_552, %mul3A_554 : vector<16xf32>
        %add3A_556 = arith.constant 0 : i32
        %add3A_557 = arith.addi %add3A_556, %add3A_538 : i32
        %get3A_558 = arith.index_cast %add3A_557 : i32 to index
        %get3A_559 = tpu.vector_load %arg13[%get3A_558] {strides = array<i32>} : memref<4096xi32, #tpu.memory_space<vmem>>, vector<16xi32>,
        %and3A_560 = arith.andi %get3A_559, %add3A_426 : vector<16xi32>
        %ne3A_561 = arith.constant 0 : i32
        %ne3A_562 = vector.broadcast %ne3A_561 : i32 to vector<16xi32>
        %ne3A_563 = arith.cmpi ne, %and3A_560, %ne3A_562 : vector<16xi32>
        %and3A_564 = arith.andi %lt3A_555, %ne3A_563 : vector<16xi1>
        %jit3A_565 = arith.constant 1 : i32
        %jit3A_566 = arith.constant 0 : i32
        %broadcast_in_dim3A_567 = vector.broadcast %jit3A_565 : i32 to vector<16xi32>
        %broadcast_in_dim3A_568 = vector.broadcast %jit3A_566 : i32 to vector<16xi32>
        %select_n3A_569 = arith.select %and3A_564, %broadcast_in_dim3A_567, %broadcast_in_dim3A_568 : vector<16xi1>, vector<16xi32>
        %swap3A_570 = arith.index_cast %add3A_538 : i32 to index
        %swap3A_571 = tpu.vector_load %arg14[%swap3A_570] {strides = array<i32>} : memref<2112xi32, #tpu.memory_space<vmem>>, vector<16xi32>,
        tpu.vector_store %arg14[%swap3A_570], %select_n3A_569 {strides = array<i32>} : memref<2112xi32, #tpu.memory_space<vmem>>, vector<16xi32>,
        %add3A_572 = arith.addi %add3A_534, %select_n3A_569 : vector<16xi32>
        %mul3A_573 = arith.constant 64 : i32
        %mul3A_574 = arith.muli %while3A_458, %mul3A_573 : i32
        %add3A_575 = arith.constant 48 : i32
        %add3A_576 = arith.addi %mul3A_574, %add3A_575 : i32
        %get3A_577 = arith.index_cast %add3A_576 : i32 to index
        %get3A_578 = tpu.vector_load %arg9[%get3A_577] {strides = array<i32>} : memref<2048xf32, #tpu.memory_space<vmem>>, vector<16xf32>,
        %get3A_579 = arith.index_cast %add3A_576 : i32 to index
        %get3A_580 = tpu.vector_load %arg10[%get3A_579] {strides = array<i32>} : memref<2048xf32, #tpu.memory_space<vmem>>, vector<16xf32>,
        %get3A_581 = arith.index_cast %add3A_576 : i32 to index
        %get3A_582 = tpu.vector_load %arg11[%get3A_581] {strides = array<i32>} : memref<2048xf32, #tpu.memory_space<vmem>>, vector<16xf32>,
        %sub3A_583 = arith.subf %get3A_578, %gather3A_419 : vector<16xf32>
        %sub3A_584 = arith.subf %get3A_580, %gather3A_420 : vector<16xf32>
        %mul3A_585 = arith.mulf %sub3A_583, %sub3A_583 : vector<16xf32>
        %mul3A_586 = arith.mulf %sub3A_584, %sub3A_584 : vector<16xf32>
        %add3A_587 = arith.addf %mul3A_585, %mul3A_586 : vector<16xf32>
        %add3A_588 = arith.constant 9.99999996E-13 : f32
        %add3A_589 = vector.broadcast %add3A_588 : f32 to vector<16xf32>
        %add3A_590 = arith.addf %add3A_587, %add3A_589 : vector<16xf32>
        %add3A_591 = arith.addf %get3A_582, %gather3A_421 : vector<16xf32>
        %mul3A_592 = arith.mulf %add3A_591, %add3A_591 : vector<16xf32>
        %lt3A_593 = arith.cmpf olt, %add3A_590, %mul3A_592 : vector<16xf32>
        %add3A_594 = arith.constant 0 : i32
        %add3A_595 = arith.addi %add3A_594, %add3A_576 : i32
        %get3A_596 = arith.index_cast %add3A_595 : i32 to index
        %get3A_597 = tpu.vector_load %arg13[%get3A_596] {strides = array<i32>} : memref<4096xi32, #tpu.memory_space<vmem>>, vector<16xi32>,
        %and3A_598 = arith.andi %get3A_597, %add3A_426 : vector<16xi32>
        %ne3A_599 = arith.constant 0 : i32
        %ne3A_600 = vector.broadcast %ne3A_599 : i32 to vector<16xi32>
        %ne3A_601 = arith.cmpi ne, %and3A_598, %ne3A_600 : vector<16xi32>
        %and3A_602 = arith.andi %lt3A_593, %ne3A_601 : vector<16xi1>
        %jit3A_603 = arith.constant 1 : i32
        %jit3A_604 = arith.constant 0 : i32
        %broadcast_in_dim3A_605 = vector.broadcast %jit3A_603 : i32 to vector<16xi32>
        %broadcast_in_dim3A_606 = vector.broadcast %jit3A_604 : i32 to vector<16xi32>
        %select_n3A_607 = arith.select %and3A_602, %broadcast_in_dim3A_605, %broadcast_in_dim3A_606 : vector<16xi1>, vector<16xi32>
        %swap3A_608 = arith.index_cast %add3A_576 : i32 to index
        %swap3A_609 = tpu.vector_load %arg14[%swap3A_608] {strides = array<i32>} : memref<2112xi32, #tpu.memory_space<vmem>>, vector<16xi32>,
        tpu.vector_store %arg14[%swap3A_608], %select_n3A_607 {strides = array<i32>} : memref<2112xi32, #tpu.memory_space<vmem>>, vector<16xi32>,
        %add3A_610 = arith.addi %add3A_572, %select_n3A_607 : vector<16xi32>
        scf.yield %add3A_610 : vector<16xi32>
      }
      %while3A_437 = arith.constant 1 : i32
      %while3A_438 = scf.for %while3A_458 = %while3A_434 to %while3A_430 step %while3A_437 iter_args(%while3A_459 = %while3A_436) -> (vector<16xi32>)  : i32 {
        %mul3A_460 = arith.constant 64 : i32
        %mul3A_461 = arith.muli %while3A_458, %mul3A_460 : i32
        %add3A_462 = arith.constant 0 : i32
        %add3A_463 = arith.addi %mul3A_461, %add3A_462 : i32
        %get3A_464 = arith.index_cast %add3A_463 : i32 to index
        %get3A_465 = tpu.vector_load %arg9[%get3A_464] {strides = array<i32>} : memref<2048xf32, #tpu.memory_space<vmem>>, vector<16xf32>,
        %get3A_466 = arith.index_cast %add3A_463 : i32 to index
        %get3A_467 = tpu.vector_load %arg10[%get3A_466] {strides = array<i32>} : memref<2048xf32, #tpu.memory_space<vmem>>, vector<16xf32>,
        %get3A_468 = arith.index_cast %add3A_463 : i32 to index
        %get3A_469 = tpu.vector_load %arg11[%get3A_468] {strides = array<i32>} : memref<2048xf32, #tpu.memory_space<vmem>>, vector<16xf32>,
        %sub3A_470 = arith.subf %get3A_465, %gather3A_419 : vector<16xf32>
        %sub3A_471 = arith.subf %get3A_467, %gather3A_420 : vector<16xf32>
        %mul3A_472 = arith.mulf %sub3A_470, %sub3A_470 : vector<16xf32>
        %mul3A_473 = arith.mulf %sub3A_471, %sub3A_471 : vector<16xf32>
        %add3A_474 = arith.addf %mul3A_472, %mul3A_473 : vector<16xf32>
        %add3A_475 = arith.constant 9.99999996E-13 : f32
        %add3A_476 = vector.broadcast %add3A_475 : f32 to vector<16xf32>
        %add3A_477 = arith.addf %add3A_474, %add3A_476 : vector<16xf32>
        %add3A_478 = arith.addf %get3A_469, %gather3A_421 : vector<16xf32>
        %mul3A_479 = arith.mulf %add3A_478, %add3A_478 : vector<16xf32>
        %lt3A = arith.cmpf olt, %add3A_477, %mul3A_479 : vector<16xf32>
        %add3A_480 = arith.constant 0 : i32
        %add3A_481 = arith.addi %add3A_480, %add3A_463 : i32
        %get3A_482 = arith.index_cast %add3A_481 : i32 to index
        %get3A_483 = tpu.vector_load %arg13[%get3A_482] {strides = array<i32>} : memref<4096xi32, #tpu.memory_space<vmem>>, vector<16xi32>,
        %and3A_484 = arith.andi %get3A_483, %add3A_426 : vector<16xi32>
        %ne3A_485 = arith.constant 0 : i32
        %ne3A_486 = vector.broadcast %ne3A_485 : i32 to vector<16xi32>
        %ne3A_487 = arith.cmpi ne, %and3A_484, %ne3A_486 : vector<16xi32>
        %and3A_488 = arith.andi %lt3A, %ne3A_487 : vector<16xi1>
        %jit3A_489 = arith.constant 1 : i32
        %jit3A_490 = arith.constant 0 : i32
        %broadcast_in_dim3A_491 = vector.broadcast %jit3A_489 : i32 to vector<16xi32>
        %broadcast_in_dim3A_492 = vector.broadcast %jit3A_490 : i32 to vector<16xi32>
        %select_n3A_493 = arith.select %and3A_488, %broadcast_in_dim3A_491, %broadcast_in_dim3A_492 : vector<16xi1>, vector<16xi32>
        %swap3A_494 = arith.index_cast %add3A_463 : i32 to index
        %swap3A_495 = tpu.vector_load %arg14[%swap3A_494] {strides = array<i32>} : memref<2112xi32, #tpu.memory_space<vmem>>, vector<16xi32>,
        tpu.vector_store %arg14[%swap3A_494], %select_n3A_493 {strides = array<i32>} : memref<2112xi32, #tpu.memory_space<vmem>>, vector<16xi32>,
        %add3A_496 = arith.addi %while3A_459, %select_n3A_493 : vector<16xi32>
        %mul3A_497 = arith.constant 64 : i32
        %mul3A_498 = arith.muli %while3A_458, %mul3A_497 : i32
        %add3A_499 = arith.constant 16 : i32
        %add3A_500 = arith.addi %mul3A_498, %add3A_499 : i32
        %get3A_501 = arith.index_cast %add3A_500 : i32 to index
        %get3A_502 = tpu.vector_load %arg9[%get3A_501] {strides = array<i32>} : memref<2048xf32, #tpu.memory_space<vmem>>, vector<16xf32>,
        %get3A_503 = arith.index_cast %add3A_500 : i32 to index
        %get3A_504 = tpu.vector_load %arg10[%get3A_503] {strides = array<i32>} : memref<2048xf32, #tpu.memory_space<vmem>>, vector<16xf32>,
        %get3A_505 = arith.index_cast %add3A_500 : i32 to index
        %get3A_506 = tpu.vector_load %arg11[%get3A_505] {strides = array<i32>} : memref<2048xf32, #tpu.memory_space<vmem>>, vector<16xf32>,
        %sub3A_507 = arith.subf %get3A_502, %gather3A_419 : vector<16xf32>
        %sub3A_508 = arith.subf %get3A_504, %gather3A_420 : vector<16xf32>
        %mul3A_509 = arith.mulf %sub3A_507, %sub3A_507 : vector<16xf32>
        %mul3A_510 = arith.mulf %sub3A_508, %sub3A_508 : vector<16xf32>
        %add3A_511 = arith.addf %mul3A_509, %mul3A_510 : vector<16xf32>
        %add3A_512 = arith.constant 9.99999996E-13 : f32
        %add3A_513 = vector.broadcast %add3A_512 : f32 to vector<16xf32>
        %add3A_514 = arith.addf %add3A_511, %add3A_513 : vector<16xf32>
        %add3A_515 = arith.addf %get3A_506, %gather3A_421 : vector<16xf32>
        %mul3A_516 = arith.mulf %add3A_515, %add3A_515 : vector<16xf32>
        %lt3A_517 = arith.cmpf olt, %add3A_514, %mul3A_516 : vector<16xf32>
        %add3A_518 = arith.constant 0 : i32
        %add3A_519 = arith.addi %add3A_518, %add3A_500 : i32
        %get3A_520 = arith.index_cast %add3A_519 : i32 to index
        %get3A_521 = tpu.vector_load %arg13[%get3A_520] {strides = array<i32>} : memref<4096xi32, #tpu.memory_space<vmem>>, vector<16xi32>,
        %and3A_522 = arith.andi %get3A_521, %add3A_426 : vector<16xi32>
        %ne3A_523 = arith.constant 0 : i32
        %ne3A_524 = vector.broadcast %ne3A_523 : i32 to vector<16xi32>
        %ne3A_525 = arith.cmpi ne, %and3A_522, %ne3A_524 : vector<16xi32>
        %and3A_526 = arith.andi %lt3A_517, %ne3A_525 : vector<16xi1>
        %jit3A_527 = arith.constant 1 : i32
        %jit3A_528 = arith.constant 0 : i32
        %broadcast_in_dim3A_529 = vector.broadcast %jit3A_527 : i32 to vector<16xi32>
        %broadcast_in_dim3A_530 = vector.broadcast %jit3A_528 : i32 to vector<16xi32>
        %select_n3A_531 = arith.select %and3A_526, %broadcast_in_dim3A_529, %broadcast_in_dim3A_530 : vector<16xi1>, vector<16xi32>
        %swap3A_532 = arith.index_cast %add3A_500 : i32 to index
        %swap3A_533 = tpu.vector_load %arg14[%swap3A_532] {strides = array<i32>} : memref<2112xi32, #tpu.memory_space<vmem>>, vector<16xi32>,
        tpu.vector_store %arg14[%swap3A_532], %select_n3A_531 {strides = array<i32>} : memref<2112xi32, #tpu.memory_space<vmem>>, vector<16xi32>,
        %add3A_534 = arith.addi %add3A_496, %select_n3A_531 : vector<16xi32>
        %mul3A_535 = arith.constant 64 : i32
        %mul3A_536 = arith.muli %while3A_458, %mul3A_535 : i32
        %add3A_537 = arith.constant 32 : i32
        %add3A_538 = arith.addi %mul3A_536, %add3A_537 : i32
        %get3A_539 = arith.index_cast %add3A_538 : i32 to index
        %get3A_540 = tpu.vector_load %arg9[%get3A_539] {strides = array<i32>} : memref<2048xf32, #tpu.memory_space<vmem>>, vector<16xf32>,
        %get3A_541 = arith.index_cast %add3A_538 : i32 to index
        %get3A_542 = tpu.vector_load %arg10[%get3A_541] {strides = array<i32>} : memref<2048xf32, #tpu.memory_space<vmem>>, vector<16xf32>,
        %get3A_543 = arith.index_cast %add3A_538 : i32 to index
        %get3A_544 = tpu.vector_load %arg11[%get3A_543] {strides = array<i32>} : memref<2048xf32, #tpu.memory_space<vmem>>, vector<16xf32>,
        %sub3A_545 = arith.subf %get3A_540, %gather3A_419 : vector<16xf32>
        %sub3A_546 = arith.subf %get3A_542, %gather3A_420 : vector<16xf32>
        %mul3A_547 = arith.mulf %sub3A_545, %sub3A_545 : vector<16xf32>
        %mul3A_548 = arith.mulf %sub3A_546, %sub3A_546 : vector<16xf32>
        %add3A_549 = arith.addf %mul3A_547, %mul3A_548 : vector<16xf32>
        %add3A_550 = arith.constant 9.99999996E-13 : f32
        %add3A_551 = vector.broadcast %add3A_550 : f32 to vector<16xf32>
        %add3A_552 = arith.addf %add3A_549, %add3A_551 : vector<16xf32>
        %add3A_553 = arith.addf %get3A_544, %gather3A_421 : vector<16xf32>
        %mul3A_554 = arith.mulf %add3A_553, %add3A_553 : vector<16xf32>
        %lt3A_555 = arith.cmpf olt, %add3A_552, %mul3A_554 : vector<16xf32>
        %add3A_556 = arith.constant 0 : i32
        %add3A_557 = arith.addi %add3A_556, %add3A_538 : i32
        %get3A_558 = arith.index_cast %add3A_557 : i32 to index
        %get3A_559 = tpu.vector_load %arg13[%get3A_558] {strides = array<i32>} : memref<4096xi32, #tpu.memory_space<vmem>>, vector<16xi32>,
        %and3A_560 = arith.andi %get3A_559, %add3A_426 : vector<16xi32>
        %ne3A_561 = arith.constant 0 : i32
        %ne3A_562 = vector.broadcast %ne3A_561 : i32 to vector<16xi32>
        %ne3A_563 = arith.cmpi ne, %and3A_560, %ne3A_562 : vector<16xi32>
        %and3A_564 = arith.andi %lt3A_555, %ne3A_563 : vector<16xi1>
        %jit3A_565 = arith.constant 1 : i32
        %jit3A_566 = arith.constant 0 : i32
        %broadcast_in_dim3A_567 = vector.broadcast %jit3A_565 : i32 to vector<16xi32>
        %broadcast_in_dim3A_568 = vector.broadcast %jit3A_566 : i32 to vector<16xi32>
        %select_n3A_569 = arith.select %and3A_564, %broadcast_in_dim3A_567, %broadcast_in_dim3A_568 : vector<16xi1>, vector<16xi32>
        %swap3A_570 = arith.index_cast %add3A_538 : i32 to index
        %swap3A_571 = tpu.vector_load %arg14[%swap3A_570] {strides = array<i32>} : memref<2112xi32, #tpu.memory_space<vmem>>, vector<16xi32>,
        tpu.vector_store %arg14[%swap3A_570], %select_n3A_569 {strides = array<i32>} : memref<2112xi32, #tpu.memory_space<vmem>>, vector<16xi32>,
        %add3A_572 = arith.addi %add3A_534, %select_n3A_569 : vector<16xi32>
        %mul3A_573 = arith.constant 64 : i32
        %mul3A_574 = arith.muli %while3A_458, %mul3A_573 : i32
        %add3A_575 = arith.constant 48 : i32
        %add3A_576 = arith.addi %mul3A_574, %add3A_575 : i32
        %get3A_577 = arith.index_cast %add3A_576 : i32 to index
        %get3A_578 = tpu.vector_load %arg9[%get3A_577] {strides = array<i32>} : memref<2048xf32, #tpu.memory_space<vmem>>, vector<16xf32>,
        %get3A_579 = arith.index_cast %add3A_576 : i32 to index
        %get3A_580 = tpu.vector_load %arg10[%get3A_579] {strides = array<i32>} : memref<2048xf32, #tpu.memory_space<vmem>>, vector<16xf32>,
        %get3A_581 = arith.index_cast %add3A_576 : i32 to index
        %get3A_582 = tpu.vector_load %arg11[%get3A_581] {strides = array<i32>} : memref<2048xf32, #tpu.memory_space<vmem>>, vector<16xf32>,
        %sub3A_583 = arith.subf %get3A_578, %gather3A_419 : vector<16xf32>
        %sub3A_584 = arith.subf %get3A_580, %gather3A_420 : vector<16xf32>
        %mul3A_585 = arith.mulf %sub3A_583, %sub3A_583 : vector<16xf32>
        %mul3A_586 = arith.mulf %sub3A_584, %sub3A_584 : vector<16xf32>
        %add3A_587 = arith.addf %mul3A_585, %mul3A_586 : vector<16xf32>
        %add3A_588 = arith.constant 9.99999996E-13 : f32
        %add3A_589 = vector.broadcast %add3A_588 : f32 to vector<16xf32>
        %add3A_590 = arith.addf %add3A_587, %add3A_589 : vector<16xf32>
        %add3A_591 = arith.addf %get3A_582, %gather3A_421 : vector<16xf32>
        %mul3A_592 = arith.mulf %add3A_591, %add3A_591 : vector<16xf32>
        %lt3A_593 = arith.cmpf olt, %add3A_590, %mul3A_592 : vector<16xf32>
        %add3A_594 = arith.constant 0 : i32
        %add3A_595 = arith.addi %add3A_594, %add3A_576 : i32
        %get3A_596 = arith.index_cast %add3A_595 : i32 to index
        %get3A_597 = tpu.vector_load %arg13[%get3A_596] {strides = array<i32>} : memref<4096xi32, #tpu.memory_space<vmem>>, vector<16xi32>,
        %and3A_598 = arith.andi %get3A_597, %add3A_426 : vector<16xi32>
        %ne3A_599 = arith.constant 0 : i32
        %ne3A_600 = vector.broadcast %ne3A_599 : i32 to vector<16xi32>
        %ne3A_601 = arith.cmpi ne, %and3A_598, %ne3A_600 : vector<16xi32>
        %and3A_602 = arith.andi %lt3A_593, %ne3A_601 : vector<16xi1>
        %jit3A_603 = arith.constant 1 : i32
        %jit3A_604 = arith.constant 0 : i32
        %broadcast_in_dim3A_605 = vector.broadcast %jit3A_603 : i32 to vector<16xi32>
        %broadcast_in_dim3A_606 = vector.broadcast %jit3A_604 : i32 to vector<16xi32>
        %select_n3A_607 = arith.select %and3A_602, %broadcast_in_dim3A_605, %broadcast_in_dim3A_606 : vector<16xi1>, vector<16xi32>
        %swap3A_608 = arith.index_cast %add3A_576 : i32 to index
        %swap3A_609 = tpu.vector_load %arg14[%swap3A_608] {strides = array<i32>} : memref<2112xi32, #tpu.memory_space<vmem>>, vector<16xi32>,
        tpu.vector_store %arg14[%swap3A_608], %select_n3A_607 {strides = array<i32>} : memref<2112xi32, #tpu.memory_space<vmem>>, vector<16xi32>,
        %add3A_610 = arith.addi %add3A_572, %select_n3A_607 : vector<16xi32>
        scf.yield %add3A_610 : vector<16xi32>
      }
      %reduce_sum3A = arith.constant true
      %reduce_sum3A_439 = vector.broadcast %reduce_sum3A : i1 to vector<16xi1>
      %reduce_sum3A_440 = tpu.scan <sum>, %while3A_438 masked %reduce_sum3A_439 : vector<16xi32>, vector<16xi1> -> vector<16xi32>
      %reduce_sum3A_441 = vector.extract %reduce_sum3A_440[15] : i32 from vector<16xi32>
      %gt3A = arith.constant 0 : i32
      %gt3A_442 = arith.cmpi sgt, %reduce_sum3A_441, %gt3A : i32
      %convert_element_type3A = arith.extui %gt3A_442 : i1 to i32
      %cond3A = arith.constant 0 : i32
      %cond3A_443 = arith.cmpi ne, %convert_element_type3A, %cond3A : i32
      %cond3A_444 = scf.if %cond3A_443 -> (i32) {
        %convert_element_type3A_458 = arith.sitofp %reduce_sum3A_441 : i32 to f32
        %broadcast_in_dim3A_459 = arith.constant 1.000000e+00 : f32
        %broadcast_in_dim3A_460 = vector.broadcast %broadcast_in_dim3A_459 : f32 to vector<16xf32>
        %div3A_461 = vector.broadcast %convert_element_type3A_458 : f32 to vector<16xf32>
        %div3A_462 = arith.divf %broadcast_in_dim3A_460, %div3A_461 : vector<16xf32>
        %add3A_463 = arith.constant 1 : i32
        %add3A_464 = arith.addi %reduce_sum3A_441, %add3A_463 : i32
        %broadcast_in_dim3A_465 = arith.constant 0.000000e+00 : f32
        %broadcast_in_dim3A_466 = vector.broadcast %broadcast_in_dim3A_465 : f32 to vector<16xf32>
        %while3A_467 = arith.constant 1 : i32
        %while3A_468 = arith.subi %add3A_464, %while3A_467 : i32
        %while3A_469 = arith.addi %while3A_467, %while3A_468 : i32
        %while3A_470 = arith.constant 1 : i32
        %while3A_471 = arith.divsi %while3A_468, %while3A_470 : i32
        %while3A_472 = arith.muli %while3A_471, %while3A_470 : i32
        %while3A_473 = arith.addi %while3A_467, %while3A_472 : i32
        %while3A_474 = arith.constant 1 : i32
        %while3A_475 = scf.for %while3A_525 = %while3A_467 to %while3A_473 step %while3A_474 iter_args(%while3A_526 = %broadcast_in_dim3A_466) -> (vector<16xf32>)  : i32 {
          %add3A_527 = arith.addf %while3A_526, %div3A_462 : vector<16xf32>
          scf.yield %add3A_527 : vector<16xf32>
        }
        %while3A_476 = arith.constant 1 : i32
        %while3A_477 = scf.for %while3A_525 = %while3A_473 to %while3A_469 step %while3A_476 iter_args(%while3A_526 = %while3A_475) -> (vector<16xf32>)  : i32 {
          %add3A_527 = arith.addf %while3A_526, %div3A_462 : vector<16xf32>
          scf.yield %add3A_527 : vector<16xf32>
        }
        %broadcast_in_dim3A_478 = arith.constant 0 : i32
        %broadcast_in_dim3A_479 = vector.broadcast %broadcast_in_dim3A_478 : i32 to vector<16xi32>
        %add3A_480 = arith.constant 0 : i32
        %add3A_481 = arith.addi %add3A_480, %scan3A_362 : i32
        %add3A_482 = vector.broadcast %add3A_481 : i32 to vector<16xi32>
        %add3A_483 = arith.addi %broadcast_in_dim3A_479, %add3A_482 : vector<16xi32>
        %gather3A_484 = tpu.vector_load_idx %arg12[%add3A_483] : memref<64xf32, #tpu.memory_space<vmem>>[vector<16xi32>], vector<16xf32>,
        %sub3A_485 = arith.constant 1.000000e+00 : f32
        %sub3A_486 = vector.broadcast %sub3A_485 : f32 to vector<16xf32>
        %sub3A_487 = arith.subf %sub3A_486, %gather3A_484 : vector<16xf32>
        %mul3A_488 = arith.mulf %while3A_477, %sub3A_487 : vector<16xf32>
        %add3A_489 = arith.constant 1 : i32
        %add3A_490 = arith.addi %reduce_sum3A_441, %add3A_489 : i32
        %broadcast_in_dim3A_491 = arith.constant 0.000000e+00 : f32
        %broadcast_in_dim3A_492 = vector.broadcast %broadcast_in_dim3A_491 : f32 to vector<16xf32>
        %broadcast_in_dim3A_493 = arith.constant 0 : i32
        %broadcast_in_dim3A_494 = vector.broadcast %broadcast_in_dim3A_493 : i32 to vector<16xi32>
        %while3A_495 = arith.constant 1 : i32
        %while3A_496 = arith.subi %add3A_490, %while3A_495 : i32
        %while3A_497 = arith.addi %while3A_495, %while3A_496 : i32
        %while3A_498 = arith.constant 1 : i32
        %while3A_499 = arith.divsi %while3A_496, %while3A_498 : i32
        %while3A_500 = arith.muli %while3A_499, %while3A_498 : i32
        %while3A_501 = arith.addi %while3A_495, %while3A_500 : i32
        %while3A_502 = arith.constant 1 : i32
        %while3A_503:2 = scf.for %while3A_525 = %while3A_495 to %while3A_501 step %while3A_502 iter_args(%while3A_526 = %broadcast_in_dim3A_492, %while3A_527 = %broadcast_in_dim3A_494) -> (vector<16xf32>, vector<16xi32>)  : i32 {
          %add3A_528 = arith.addf %while3A_526, %div3A_462 : vector<16xf32>
          %lt3A = arith.cmpf olt, %add3A_528, %mul3A_488 : vector<16xf32>
          %jit3A_529 = arith.constant 1 : i32
          %jit3A_530 = arith.constant 0 : i32
          %broadcast_in_dim3A_531 = vector.broadcast %jit3A_529 : i32 to vector<16xi32>
          %broadcast_in_dim3A_532 = vector.broadcast %jit3A_530 : i32 to vector<16xi32>
          %select_n3A_533 = arith.select %lt3A, %broadcast_in_dim3A_531, %broadcast_in_dim3A_532 : vector<16xi1>, vector<16xi32>
          %add3A_534 = arith.addi %while3A_527, %select_n3A_533 : vector<16xi32>
          scf.yield %add3A_528, %add3A_534 : vector<16xf32>, vector<16xi32>
        }
        %while3A_504 = arith.constant 1 : i32
        %while3A_505:2 = scf.for %while3A_525 = %while3A_501 to %while3A_497 step %while3A_504 iter_args(%while3A_526 = %while3A_503#0, %while3A_527 = %while3A_503#1) -> (vector<16xf32>, vector<16xi32>)  : i32 {
          %add3A_528 = arith.addf %while3A_526, %div3A_462 : vector<16xf32>
          %lt3A = arith.cmpf olt, %add3A_528, %mul3A_488 : vector<16xf32>
          %jit3A_529 = arith.constant 1 : i32
          %jit3A_530 = arith.constant 0 : i32
          %broadcast_in_dim3A_531 = vector.broadcast %jit3A_529 : i32 to vector<16xi32>
          %broadcast_in_dim3A_532 = vector.broadcast %jit3A_530 : i32 to vector<16xi32>
          %select_n3A_533 = arith.select %lt3A, %broadcast_in_dim3A_531, %broadcast_in_dim3A_532 : vector<16xi1>, vector<16xi32>
          %add3A_534 = arith.addi %while3A_527, %select_n3A_533 : vector<16xi32>
          scf.yield %add3A_528, %add3A_534 : vector<16xf32>, vector<16xi32>
        }
        %reduce_max3A = arith.constant true
        %reduce_max3A_506 = vector.broadcast %reduce_max3A : i1 to vector<16xi1>
        %reduce_max3A_507 = arith.constant -2147483648 : i32
        %reduce_max3A_508 = vector.broadcast %reduce_max3A_507 : i32 to vector<16xi32>
        %reduce_max3A_509 = arith.xori %while3A_505#1, %reduce_max3A_508 : vector<16xi32>
        %reduce_max3A_510 = tpu.scan <max>, %reduce_max3A_509 masked %reduce_max3A_506 : vector<16xi32>, vector<16xi1> -> vector<16xi32>
        %reduce_max3A_511 = arith.xori %reduce_max3A_510, %reduce_max3A_508 : vector<16xi32>
        %reduce_max3A_512 = vector.extract %reduce_max3A_511[15] : i32 from vector<16xi32>
        %add3A_513 = arith.constant 1 : i32
        %add3A_514 = arith.addi %reduce_max3A_512, %add3A_513 : i32
        %while3A_515 = arith.constant 0 : i32
        %while3A_516 = arith.constant 0 : i32
        %while3A_517 = arith.constant 0 : i32
        %while3A_518:3 = scf.while (%while3A_525 = %while3A_515, %while3A_526 = %while3A_516, %while3A_527 = %while3A_517) : (i32, i32, i32) -> (i32, i32, i32) {
          %lt3A = arith.cmpi slt, %while3A_525, %select_n3A_414 : i32
          %lt3A_528 = arith.cmpi slt, %while3A_526, %add3A_514 : i32
          %and3A_529 = arith.andi %lt3A, %lt3A_528 : i1
          scf.condition(%and3A_529) %while3A_525, %while3A_526, %while3A_527 : i32, i32, i32
        } do {
        ^bb0(%while3A_525: i32, %while3A_526: i32, %while3A_527: i32):
          %mul3A_528 = arith.constant 64 : i32
          %mul3A_529 = arith.muli %while3A_525, %mul3A_528 : i32
          %get3A_530 = arith.index_cast %mul3A_529 : i32 to index
          %get3A_531 = tpu.vector_load %arg14[%get3A_530] {strides = array<i32>} : memref<2112xi32, #tpu.memory_space<vmem>>, vector<16xi32>,
          %add3A_532 = arith.constant 16 : i32
          %add3A_533 = arith.addi %mul3A_529, %add3A_532 : i32
          %get3A_534 = arith.index_cast %add3A_533 : i32 to index
          %get3A_535 = tpu.vector_load %arg14[%get3A_534] {strides = array<i32>} : memref<2112xi32, #tpu.memory_space<vmem>>, vector<16xi32>,
          %add3A_536 = arith.addi %get3A_531, %get3A_535 : vector<16xi32>
          %add3A_537 = arith.constant 32 : i32
          %add3A_538 = arith.addi %mul3A_529, %add3A_537 : i32
          %get3A_539 = arith.index_cast %add3A_538 : i32 to index
          %get3A_540 = tpu.vector_load %arg14[%get3A_539] {strides = array<i32>} : memref<2112xi32, #tpu.memory_space<vmem>>, vector<16xi32>,
          %add3A_541 = arith.addi %add3A_536, %get3A_540 : vector<16xi32>
          %add3A_542 = arith.constant 48 : i32
          %add3A_543 = arith.addi %mul3A_529, %add3A_542 : i32
          %get3A_544 = arith.index_cast %add3A_543 : i32 to index
          %get3A_545 = tpu.vector_load %arg14[%get3A_544] {strides = array<i32>} : memref<2112xi32, #tpu.memory_space<vmem>>, vector<16xi32>,
          %add3A_546 = arith.addi %add3A_541, %get3A_545 : vector<16xi32>
          %add3A_547 = arith.constant 1 : i32
          %add3A_548 = arith.addi %while3A_525, %add3A_547 : i32
          %reduce_sum3A_549 = arith.constant true
          %reduce_sum3A_550 = vector.broadcast %reduce_sum3A_549 : i1 to vector<16xi1>
          %reduce_sum3A_551 = tpu.scan <sum>, %add3A_546 masked %reduce_sum3A_550 : vector<16xi32>, vector<16xi1> -> vector<16xi32>
          %reduce_sum3A_552 = vector.extract %reduce_sum3A_551[15] : i32 from vector<16xi32>
          %add3A_553 = arith.addi %while3A_526, %reduce_sum3A_552 : i32
          scf.yield %add3A_548, %add3A_553, %while3A_526 : i32, i32, i32
        }
        %sub3A_519 = arith.constant 1 : i32
        %sub3A_520 = arith.subi %while3A_518#0, %sub3A_519 : i32
        %mul3A_521 = arith.constant 4 : i32
        %mul3A_522 = arith.muli %sub3A_520, %mul3A_521 : i32
        %while3A_523 = arith.constant 0 : i32
        %while3A_524:3 = scf.while (%while3A_525 = %mul3A_522, %while3A_526 = %while3A_518#2, %while3A_527 = %while3A_523) : (i32, i32, i32) -> (i32, i32, i32) {
          %mul3A_528 = arith.constant 4 : i32
          %mul3A_529 = arith.muli %mul3A_528, %select_n3A_414 : i32
          %lt3A = arith.cmpi slt, %while3A_525, %mul3A_529 : i32
          %lt3A_530 = arith.cmpi slt, %while3A_526, %add3A_514 : i32
          %and3A_531 = arith.andi %lt3A, %lt3A_530 : i1
          scf.condition(%and3A_531) %while3A_525, %while3A_526, %while3A_527 : i32, i32, i32
        } do {
        ^bb0(%while3A_525: i32, %while3A_526: i32, %while3A_527: i32):
          %mul3A_528 = arith.constant 16 : i32
          %mul3A_529 = arith.muli %while3A_525, %mul3A_528 : i32
          %get3A_530 = arith.index_cast %mul3A_529 : i32 to index
          %get3A_531 = tpu.vector_load %arg14[%get3A_530] {strides = array<i32>} : memref<2112xi32, #tpu.memory_space<vmem>>, vector<16xi32>,
          %broadcast_in_dim3A_532 = arith.constant true
          %broadcast_in_dim3A_533 = vector.broadcast %broadcast_in_dim3A_532 : i1 to vector<16xi1>
          %masked_cumsum3A = tpu.scan <sum>, %get3A_531 masked %broadcast_in_dim3A_533 : vector<16xi32>, vector<16xi1> -> vector<16xi32>
          %add3A_534 = vector.broadcast %while3A_526 : i32 to vector<16xi32>
          %add3A_535 = arith.addi %masked_cumsum3A, %add3A_534 : vector<16xi32>
          %eq3A_536 = vector.broadcast %add3A_514 : i32 to vector<16xi32>
          %eq3A_537 = arith.cmpi eq, %add3A_535, %eq3A_536 : vector<16xi32>
          %gt3A_538 = arith.constant 0 : i32
          %gt3A_539 = vector.broadcast %gt3A_538 : i32 to vector<16xi32>
          %gt3A_540 = arith.cmpi sgt, %get3A_531, %gt3A_539 : vector<16xi32>
          %and3A_541 = arith.andi %eq3A_537, %gt3A_540 : vector<16xi1>
          %add3A_542 = vector.broadcast %mul3A_529 : i32 to vector<16xi32>
          %add3A_543 = arith.addi %iota3A, %add3A_542 : vector<16xi32>
          %jit3A_544 = arith.constant 0 : i32
          %broadcast_in_dim3A_545 = vector.broadcast %jit3A_544 : i32 to vector<16xi32>
          %select_n3A_546 = arith.select %and3A_541, %add3A_543, %broadcast_in_dim3A_545 : vector<16xi1>, vector<16xi32>
          %reduce_sum3A_547 = arith.constant true
          %reduce_sum3A_548 = vector.broadcast %reduce_sum3A_547 : i1 to vector<16xi1>
          %reduce_sum3A_549 = tpu.scan <sum>, %select_n3A_546 masked %reduce_sum3A_548 : vector<16xi32>, vector<16xi1> -> vector<16xi32>
          %reduce_sum3A_550 = vector.extract %reduce_sum3A_549[15] : i32 from vector<16xi32>
          %reduce_sum3A_551 = arith.constant true
          %reduce_sum3A_552 = vector.broadcast %reduce_sum3A_551 : i1 to vector<16xi1>
          %reduce_sum3A_553 = tpu.scan <sum>, %get3A_531 masked %reduce_sum3A_552 : vector<16xi32>, vector<16xi1> -> vector<16xi32>
          %reduce_sum3A_554 = vector.extract %reduce_sum3A_553[15] : i32 from vector<16xi32>
          %add3A_555 = arith.constant 1 : i32
          %add3A_556 = arith.addi %while3A_525, %add3A_555 : i32
          %add3A_557 = arith.addi %while3A_526, %reduce_sum3A_554 : i32
          %add3A_558 = arith.addi %while3A_527, %reduce_sum3A_550 : i32
          scf.yield %add3A_556, %add3A_557, %add3A_558 : i32, i32, i32
        }
        scf.yield %while3A_524#2 : i32
      } else {
        %cond3A_458 = arith.constant -1 : i32
        scf.yield %cond3A_458 : i32
      }
      %broadcast_in_dim3A_445 = arith.constant 0 : i32
      %broadcast_in_dim3A_446 = vector.broadcast %broadcast_in_dim3A_445 : i32 to vector<16xi32>
      %add3A_447 = arith.constant 0 : i32
      %add3A_448 = arith.addi %add3A_447, %scan3A_362 : i32
      %add3A_449 = vector.broadcast %add3A_448 : i32 to vector<16xi32>
      %add3A_450 = arith.addi %broadcast_in_dim3A_446, %add3A_449 : vector<16xi32>
      %broadcast_in_dim3A_451 = arith.constant 0 : i32
      %broadcast_in_dim3A_452 = vector.broadcast %broadcast_in_dim3A_451 : i32 to vector<16xi32>
      %add3A_453 = vector.broadcast %cond3A_444 : i32 to vector<16xi32>
      %add3A_454 = arith.addi %broadcast_in_dim3A_452, %add3A_453 : vector<16xi32>
      %eq3A = arith.constant 0 : i32
      %eq3A_455 = vector.broadcast %eq3A : i32 to vector<16xi32>
      %eq3A_456 = arith.cmpi eq, %iota3A, %eq3A_455 : vector<16xi32>
      tpu.vector_store_idx %arg15[%add3A_450], %add3A_454 masked %eq3A_456 : memref<64xi32, #tpu.memory_space<vmem>>[vector<16xi32>], vector<16xi32>, vector<16xi1>
      %scan3A_457 = arith.constant 0 : i32
      scf.yield %scan3A_457 : i32
    }
    %scan3A_63 = arith.constant 32 : i32
    %get3A = arith.constant 0 : index
    %get3A_64 = tpu.vector_load %arg15[%get3A] {strides = array<i32>} : memref<64xi32, #tpu.memory_space<vmem>>, vector<16xi32>,
    %ge3A = arith.constant 0 : i32
    %ge3A_65 = vector.broadcast %ge3A : i32 to vector<16xi32>
    %ge3A_66 = arith.cmpi sge, %get3A_64, %ge3A_65 : vector<16xi32>
    %max3A = arith.constant 0 : i32
    %max3A_67 = vector.broadcast %max3A : i32 to vector<16xi32>
    %max3A_68 = arith.maxsi %get3A_64, %max3A_67 : vector<16xi32>
    %gather3A = tpu.vector_load_idx %arg9[%max3A_68] : memref<2048xf32, #tpu.memory_space<vmem>>[vector<16xi32>], vector<16xf32>,
    %gather3A_69 = tpu.vector_load_idx %arg10[%max3A_68] : memref<2048xf32, #tpu.memory_space<vmem>>[vector<16xi32>], vector<16xf32>,
    %gather3A_70 = tpu.vector_load_idx %arg11[%max3A_68] : memref<2048xf32, #tpu.memory_space<vmem>>[vector<16xi32>], vector<16xf32>,
    %add3A_71 = arith.constant 0 : i32
    %add3A_72 = arith.addi %mul3A_57, %add3A_71 : i32
    %get3A_73 = arith.index_cast %add3A_72 : i32 to index
    %get3A_74 = tpu.vector_load %arg9[%get3A_73] {strides = array<i32>} : memref<2048xf32, #tpu.memory_space<vmem>>, vector<16xf32>,
    %add3A_75 = arith.constant 0 : i32
    %add3A_76 = arith.addi %mul3A_57, %add3A_75 : i32
    %get3A_77 = arith.index_cast %add3A_76 : i32 to index
    %get3A_78 = tpu.vector_load %arg10[%get3A_77] {strides = array<i32>} : memref<2048xf32, #tpu.memory_space<vmem>>, vector<16xf32>,
    %add3A_79 = arith.constant 0 : i32
    %add3A_80 = arith.addi %mul3A_57, %add3A_79 : i32
    %get3A_81 = arith.index_cast %add3A_80 : i32 to index
    %get3A_82 = tpu.vector_load %arg11[%get3A_81] {strides = array<i32>} : memref<2048xf32, #tpu.memory_space<vmem>>, vector<16xf32>,
    %sub3A_83 = arith.subf %gather3A, %get3A_74 : vector<16xf32>
    %sub3A_84 = arith.subf %gather3A_69, %get3A_78 : vector<16xf32>
    %mul3A_85 = arith.mulf %sub3A_83, %sub3A_83 : vector<16xf32>
    %mul3A_86 = arith.mulf %sub3A_84, %sub3A_84 : vector<16xf32>
    %add3A_87 = arith.addf %mul3A_85, %mul3A_86 : vector<16xf32>
    %add3A_88 = arith.constant 9.99999996E-13 : f32
    %add3A_89 = vector.broadcast %add3A_88 : f32 to vector<16xf32>
    %add3A_90 = arith.addf %add3A_87, %add3A_89 : vector<16xf32>
    %bitcast3A = vector.bitcast %add3A_90 : vector<16xf32> to vector<16xi32>
    %shift_right_logical3A = arith.constant 1 : i32
    %shift_right_logical3A_91 = vector.broadcast %shift_right_logical3A : i32 to vector<16xi32>
    %shift_right_logical3A_92 = arith.shrui %bitcast3A, %shift_right_logical3A_91 : vector<16xi32>
    %add3A_93 = arith.constant 532487669 : i32
    %add3A_94 = vector.broadcast %add3A_93 : i32 to vector<16xi32>
    %add3A_95 = arith.addi %shift_right_logical3A_92, %add3A_94 : vector<16xi32>
    %bitcast3A_96 = vector.bitcast %add3A_95 : vector<16xi32> to vector<16xf32>
    %div3A = arith.divf %add3A_90, %bitcast3A_96 : vector<16xf32>
    %add3A_97 = arith.addf %bitcast3A_96, %div3A : vector<16xf32>
    %mul3A_98 = arith.constant 5.000000e-01 : f32
    %mul3A_99 = vector.broadcast %mul3A_98 : f32 to vector<16xf32>
    %mul3A_100 = arith.mulf %mul3A_99, %add3A_97 : vector<16xf32>
    %div3A_101 = arith.divf %add3A_90, %mul3A_100 : vector<16xf32>
    %add3A_102 = arith.addf %mul3A_100, %div3A_101 : vector<16xf32>
    %mul3A_103 = arith.constant 5.000000e-01 : f32
    %mul3A_104 = vector.broadcast %mul3A_103 : f32 to vector<16xf32>
    %mul3A_105 = arith.mulf %mul3A_104, %add3A_102 : vector<16xf32>
    %div3A_106 = arith.divf %add3A_90, %mul3A_105 : vector<16xf32>
    %add3A_107 = arith.addf %mul3A_105, %div3A_106 : vector<16xf32>
    %mul3A_108 = arith.constant 5.000000e-01 : f32
    %mul3A_109 = vector.broadcast %mul3A_108 : f32 to vector<16xf32>
    %mul3A_110 = arith.mulf %mul3A_109, %add3A_107 : vector<16xf32>
    %div3A_111 = arith.divf %add3A_90, %mul3A_110 : vector<16xf32>
    %add3A_112 = arith.addf %mul3A_110, %div3A_111 : vector<16xf32>
    %mul3A_113 = arith.constant 5.000000e-01 : f32
    %mul3A_114 = vector.broadcast %mul3A_113 : f32 to vector<16xf32>
    %mul3A_115 = arith.mulf %mul3A_114, %add3A_112 : vector<16xf32>
    %add3A_116 = arith.addf %get3A_82, %gather3A_70 : vector<16xf32>
    %sub3A_117 = arith.subf %add3A_116, %mul3A_115 : vector<16xf32>
    %div3A_118 = arith.divf %sub3A_83, %mul3A_115 : vector<16xf32>
    %mul3A_119 = arith.mulf %div3A_118, %sub3A_117 : vector<16xf32>
    %jit3A = arith.constant 0.000000e+00 : f32
    %broadcast_in_dim3A = vector.broadcast %jit3A : f32 to vector<16xf32>
    %select_n3A = arith.select %ge3A_66, %mul3A_119, %broadcast_in_dim3A : vector<16xi1>, vector<16xf32>
    %swap3A = arith.constant 0 : index
    %swap3A_120 = tpu.vector_load %arg16[%swap3A] {strides = array<i32>} : memref<64xf32, #tpu.memory_space<vmem>>, vector<16xf32>,
    tpu.vector_store %arg16[%swap3A], %select_n3A {strides = array<i32>} : memref<64xf32, #tpu.memory_space<vmem>>, vector<16xf32>,
    %div3A_121 = arith.divf %sub3A_84, %mul3A_115 : vector<16xf32>
    %mul3A_122 = arith.mulf %div3A_121, %sub3A_117 : vector<16xf32>
    %jit3A_123 = arith.constant 0.000000e+00 : f32
    %broadcast_in_dim3A_124 = vector.broadcast %jit3A_123 : f32 to vector<16xf32>
    %select_n3A_125 = arith.select %ge3A_66, %mul3A_122, %broadcast_in_dim3A_124 : vector<16xi1>, vector<16xf32>
    %swap3A_126 = arith.constant 0 : index
    %swap3A_127 = tpu.vector_load %arg17[%swap3A_126] {strides = array<i32>} : memref<64xf32, #tpu.memory_space<vmem>>, vector<16xf32>,
    tpu.vector_store %arg17[%swap3A_126], %select_n3A_125 {strides = array<i32>} : memref<64xf32, #tpu.memory_space<vmem>>, vector<16xf32>,
    %get3A_128 = arith.constant 16 : index
    %get3A_129 = tpu.vector_load %arg15[%get3A_128] {strides = array<i32>} : memref<64xi32, #tpu.memory_space<vmem>>, vector<16xi32>,
    %ge3A_130 = arith.constant 0 : i32
    %ge3A_131 = vector.broadcast %ge3A_130 : i32 to vector<16xi32>
    %ge3A_132 = arith.cmpi sge, %get3A_129, %ge3A_131 : vector<16xi32>
    %max3A_133 = arith.constant 0 : i32
    %max3A_134 = vector.broadcast %max3A_133 : i32 to vector<16xi32>
    %max3A_135 = arith.maxsi %get3A_129, %max3A_134 : vector<16xi32>
    %gather3A_136 = tpu.vector_load_idx %arg9[%max3A_135] : memref<2048xf32, #tpu.memory_space<vmem>>[vector<16xi32>], vector<16xf32>,
    %gather3A_137 = tpu.vector_load_idx %arg10[%max3A_135] : memref<2048xf32, #tpu.memory_space<vmem>>[vector<16xi32>], vector<16xf32>,
    %gather3A_138 = tpu.vector_load_idx %arg11[%max3A_135] : memref<2048xf32, #tpu.memory_space<vmem>>[vector<16xi32>], vector<16xf32>,
    %add3A_139 = arith.constant 16 : i32
    %add3A_140 = arith.addi %mul3A_57, %add3A_139 : i32
    %get3A_141 = arith.index_cast %add3A_140 : i32 to index
    %get3A_142 = tpu.vector_load %arg9[%get3A_141] {strides = array<i32>} : memref<2048xf32, #tpu.memory_space<vmem>>, vector<16xf32>,
    %add3A_143 = arith.constant 16 : i32
    %add3A_144 = arith.addi %mul3A_57, %add3A_143 : i32
    %get3A_145 = arith.index_cast %add3A_144 : i32 to index
    %get3A_146 = tpu.vector_load %arg10[%get3A_145] {strides = array<i32>} : memref<2048xf32, #tpu.memory_space<vmem>>, vector<16xf32>,
    %add3A_147 = arith.constant 16 : i32
    %add3A_148 = arith.addi %mul3A_57, %add3A_147 : i32
    %get3A_149 = arith.index_cast %add3A_148 : i32 to index
    %get3A_150 = tpu.vector_load %arg11[%get3A_149] {strides = array<i32>} : memref<2048xf32, #tpu.memory_space<vmem>>, vector<16xf32>,
    %sub3A_151 = arith.subf %gather3A_136, %get3A_142 : vector<16xf32>
    %sub3A_152 = arith.subf %gather3A_137, %get3A_146 : vector<16xf32>
    %mul3A_153 = arith.mulf %sub3A_151, %sub3A_151 : vector<16xf32>
    %mul3A_154 = arith.mulf %sub3A_152, %sub3A_152 : vector<16xf32>
    %add3A_155 = arith.addf %mul3A_153, %mul3A_154 : vector<16xf32>
    %add3A_156 = arith.constant 9.99999996E-13 : f32
    %add3A_157 = vector.broadcast %add3A_156 : f32 to vector<16xf32>
    %add3A_158 = arith.addf %add3A_155, %add3A_157 : vector<16xf32>
    %bitcast3A_159 = vector.bitcast %add3A_158 : vector<16xf32> to vector<16xi32>
    %shift_right_logical3A_160 = arith.constant 1 : i32
    %shift_right_logical3A_161 = vector.broadcast %shift_right_logical3A_160 : i32 to vector<16xi32>
    %shift_right_logical3A_162 = arith.shrui %bitcast3A_159, %shift_right_logical3A_161 : vector<16xi32>
    %add3A_163 = arith.constant 532487669 : i32
    %add3A_164 = vector.broadcast %add3A_163 : i32 to vector<16xi32>
    %add3A_165 = arith.addi %shift_right_logical3A_162, %add3A_164 : vector<16xi32>
    %bitcast3A_166 = vector.bitcast %add3A_165 : vector<16xi32> to vector<16xf32>
    %div3A_167 = arith.divf %add3A_158, %bitcast3A_166 : vector<16xf32>
    %add3A_168 = arith.addf %bitcast3A_166, %div3A_167 : vector<16xf32>
    %mul3A_169 = arith.constant 5.000000e-01 : f32
    %mul3A_170 = vector.broadcast %mul3A_169 : f32 to vector<16xf32>
    %mul3A_171 = arith.mulf %mul3A_170, %add3A_168 : vector<16xf32>
    %div3A_172 = arith.divf %add3A_158, %mul3A_171 : vector<16xf32>
    %add3A_173 = arith.addf %mul3A_171, %div3A_172 : vector<16xf32>
    %mul3A_174 = arith.constant 5.000000e-01 : f32
    %mul3A_175 = vector.broadcast %mul3A_174 : f32 to vector<16xf32>
    %mul3A_176 = arith.mulf %mul3A_175, %add3A_173 : vector<16xf32>
    %div3A_177 = arith.divf %add3A_158, %mul3A_176 : vector<16xf32>
    %add3A_178 = arith.addf %mul3A_176, %div3A_177 : vector<16xf32>
    %mul3A_179 = arith.constant 5.000000e-01 : f32
    %mul3A_180 = vector.broadcast %mul3A_179 : f32 to vector<16xf32>
    %mul3A_181 = arith.mulf %mul3A_180, %add3A_178 : vector<16xf32>
    %div3A_182 = arith.divf %add3A_158, %mul3A_181 : vector<16xf32>
    %add3A_183 = arith.addf %mul3A_181, %div3A_182 : vector<16xf32>
    %mul3A_184 = arith.constant 5.000000e-01 : f32
    %mul3A_185 = vector.broadcast %mul3A_184 : f32 to vector<16xf32>
    %mul3A_186 = arith.mulf %mul3A_185, %add3A_183 : vector<16xf32>
    %add3A_187 = arith.addf %get3A_150, %gather3A_138 : vector<16xf32>
    %sub3A_188 = arith.subf %add3A_187, %mul3A_186 : vector<16xf32>
    %div3A_189 = arith.divf %sub3A_151, %mul3A_186 : vector<16xf32>
    %mul3A_190 = arith.mulf %div3A_189, %sub3A_188 : vector<16xf32>
    %jit3A_191 = arith.constant 0.000000e+00 : f32
    %broadcast_in_dim3A_192 = vector.broadcast %jit3A_191 : f32 to vector<16xf32>
    %select_n3A_193 = arith.select %ge3A_132, %mul3A_190, %broadcast_in_dim3A_192 : vector<16xi1>, vector<16xf32>
    %swap3A_194 = arith.constant 16 : index
    %swap3A_195 = tpu.vector_load %arg16[%swap3A_194] {strides = array<i32>} : memref<64xf32, #tpu.memory_space<vmem>>, vector<16xf32>,
    tpu.vector_store %arg16[%swap3A_194], %select_n3A_193 {strides = array<i32>} : memref<64xf32, #tpu.memory_space<vmem>>, vector<16xf32>,
    %div3A_196 = arith.divf %sub3A_152, %mul3A_186 : vector<16xf32>
    %mul3A_197 = arith.mulf %div3A_196, %sub3A_188 : vector<16xf32>
    %jit3A_198 = arith.constant 0.000000e+00 : f32
    %broadcast_in_dim3A_199 = vector.broadcast %jit3A_198 : f32 to vector<16xf32>
    %select_n3A_200 = arith.select %ge3A_132, %mul3A_197, %broadcast_in_dim3A_199 : vector<16xi1>, vector<16xf32>
    %swap3A_201 = arith.constant 16 : index
    %swap3A_202 = tpu.vector_load %arg17[%swap3A_201] {strides = array<i32>} : memref<64xf32, #tpu.memory_space<vmem>>, vector<16xf32>,
    tpu.vector_store %arg17[%swap3A_201], %select_n3A_200 {strides = array<i32>} : memref<64xf32, #tpu.memory_space<vmem>>, vector<16xf32>,
    "tpu.region"() ({
      %run_scoped3A = tpu.sem_alloc : memref<!tpu.dma_semaphore, #tpu.memory_space<semaphore_mem>>
      %dma_start3A_362 = arith.constant 0 : i32
      %dma_start3A_363 = tpu.memref_slice %arg16[%dma_start3A_362] : memref<64xf32, #tpu.memory_space<vmem>> -> memref<32xf32, #tpu.memory_space<vmem>>
      %dma_start3A_364 = tpu.memref_slice %arg7[%mul3A_57] : memref<2048xf32, #tpu.memory_space<hbm>> -> memref<32xf32, #tpu.memory_space<hbm>>
      %dma_start3A_365 = tpu.memref_slice %arg7[%mul3A_57] : memref<2048xf32, #tpu.memory_space<hbm>> -> memref<32xf32, #tpu.memory_space<hbm>>
      %dma_start3A_366 = arith.constant 0 : i32
      %dma_start3A_367 = tpu.memref_slice %arg16[%dma_start3A_366] : memref<64xf32, #tpu.memory_space<vmem>> -> memref<32xf32, #tpu.memory_space<vmem>>
      tpu.enqueue_dma source(%dma_start3A_367 : memref<32xf32, #tpu.memory_space<vmem>>) target(%dma_start3A_365 : memref<32xf32, #tpu.memory_space<hbm>>) target_semaphore(%run_scoped3A : memref<!tpu.dma_semaphore, #tpu.memory_space<semaphore_mem>>)
      %dma_wait3A_368 = arith.constant 0 : i32
      %dma_wait3A_369 = tpu.memref_slice %arg16[%dma_wait3A_368] : memref<64xf32, #tpu.memory_space<vmem>> -> memref<32xf32, #tpu.memory_space<vmem>>
      %dma_wait3A_370 = tpu.memref_slice %arg7[%mul3A_57] : memref<2048xf32, #tpu.memory_space<hbm>> -> memref<32xf32, #tpu.memory_space<hbm>>
      %dma_wait3A_371 = tpu.memref_slice %arg7[%mul3A_57] : memref<2048xf32, #tpu.memory_space<hbm>> -> memref<32xf32, #tpu.memory_space<hbm>>
      %dma_wait3A_372 = arith.constant 0 : i32
      %dma_wait3A_373 = tpu.memref_slice %arg16[%dma_wait3A_372] : memref<64xf32, #tpu.memory_space<vmem>> -> memref<32xf32, #tpu.memory_space<vmem>>
      tpu.wait_dma2 semaphore(%run_scoped3A : memref<!tpu.dma_semaphore, #tpu.memory_space<semaphore_mem>>) src(%dma_wait3A_373 : memref<32xf32, #tpu.memory_space<vmem>>) dst(%dma_wait3A_371 : memref<32xf32, #tpu.memory_space<hbm>>)
      tpu.yield
    }) : () -> ()
    "tpu.region"() ({
      %run_scoped3A = tpu.sem_alloc : memref<!tpu.dma_semaphore, #tpu.memory_space<semaphore_mem>>
      %dma_start3A_362 = arith.constant 0 : i32
      %dma_start3A_363 = tpu.memref_slice %arg17[%dma_start3A_362] : memref<64xf32, #tpu.memory_space<vmem>> -> memref<32xf32, #tpu.memory_space<vmem>>
      %dma_start3A_364 = tpu.memref_slice %arg8[%mul3A_57] : memref<2048xf32, #tpu.memory_space<hbm>> -> memref<32xf32, #tpu.memory_space<hbm>>
      %dma_start3A_365 = tpu.memref_slice %arg8[%mul3A_57] : memref<2048xf32, #tpu.memory_space<hbm>> -> memref<32xf32, #tpu.memory_space<hbm>>
      %dma_start3A_366 = arith.constant 0 : i32
      %dma_start3A_367 = tpu.memref_slice %arg17[%dma_start3A_366] : memref<64xf32, #tpu.memory_space<vmem>> -> memref<32xf32, #tpu.memory_space<vmem>>
      tpu.enqueue_dma source(%dma_start3A_367 : memref<32xf32, #tpu.memory_space<vmem>>) target(%dma_start3A_365 : memref<32xf32, #tpu.memory_space<hbm>>) target_semaphore(%run_scoped3A : memref<!tpu.dma_semaphore, #tpu.memory_space<semaphore_mem>>)
      %dma_wait3A_368 = arith.constant 0 : i32
      %dma_wait3A_369 = tpu.memref_slice %arg17[%dma_wait3A_368] : memref<64xf32, #tpu.memory_space<vmem>> -> memref<32xf32, #tpu.memory_space<vmem>>
      %dma_wait3A_370 = tpu.memref_slice %arg8[%mul3A_57] : memref<2048xf32, #tpu.memory_space<hbm>> -> memref<32xf32, #tpu.memory_space<hbm>>
      %dma_wait3A_371 = tpu.memref_slice %arg8[%mul3A_57] : memref<2048xf32, #tpu.memory_space<hbm>> -> memref<32xf32, #tpu.memory_space<hbm>>
      %dma_wait3A_372 = arith.constant 0 : i32
      %dma_wait3A_373 = tpu.memref_slice %arg17[%dma_wait3A_372] : memref<64xf32, #tpu.memory_space<vmem>> -> memref<32xf32, #tpu.memory_space<vmem>>
      tpu.wait_dma2 semaphore(%run_scoped3A : memref<!tpu.dma_semaphore, #tpu.memory_space<semaphore_mem>>) src(%dma_wait3A_373 : memref<32xf32, #tpu.memory_space<vmem>>) dst(%dma_wait3A_371 : memref<32xf32, #tpu.memory_space<hbm>>)
      tpu.yield
    }) : () -> ()
    %mul3A_203 = arith.constant 32 : i32
    %mul3A_204 = arith.muli %sub3A_1, %mul3A_203 : i32
    %scan3A_205 = arith.constant 0 : i32
    %scan3A_206 = arith.constant 0 : i32
    %scan3A_207 = arith.constant 32 : i32
    %scan3A_208 = arith.addi %scan3A_206, %scan3A_207 : i32
    %scan3A_209 = arith.constant 1 : i32
    %scan3A_210 = scf.for %scan3A_362 = %scan3A_206 to %scan3A_208 step %scan3A_209 iter_args(%scan3A_363 = %scan3A_205) -> (i32)  : i32 {
      %add3A_364 = arith.addi %mul3A_204, %scan3A_362 : i32
      %add3A_365 = arith.constant 16 : i32
      %add3A_366 = arith.addi %add3A_364, %add3A_365 : i32
      %sub3A_367 = arith.constant 1 : i32
      %sub3A_368 = arith.subi %add3A_366, %sub3A_367 : i32
      %jit3A_369 = arith.constant 16 : i32
      %div3A_370 = arith.divsi %sub3A_368, %jit3A_369 : i32
      %sign3A = arith.constant 0 : i32
      %sign3A_371 = arith.cmpi sgt, %sub3A_368, %sign3A : i32
      %sign3A_372 = arith.extui %sign3A_371 : i1 to i32
      %sign3A_373 = arith.constant 0 : i32
      %sign3A_374 = arith.cmpi slt, %sub3A_368, %sign3A_373 : i32
      %sign3A_375 = arith.extui %sign3A_374 : i1 to i32
      %sign3A_376 = arith.subi %sign3A_372, %sign3A_375 : i32
      %sign3A_377 = arith.constant 0 : i32
      %sign3A_378 = arith.cmpi sgt, %jit3A_369, %sign3A_377 : i32
      %sign3A_379 = arith.extui %sign3A_378 : i1 to i32
      %sign3A_380 = arith.constant 0 : i32
      %sign3A_381 = arith.cmpi slt, %jit3A_369, %sign3A_380 : i32
      %sign3A_382 = arith.extui %sign3A_381 : i1 to i32
      %sign3A_383 = arith.subi %sign3A_379, %sign3A_382 : i32
      %ne3A = arith.cmpi ne, %sign3A_376, %sign3A_383 : i32
      %rem3A = arith.remsi %sub3A_368, %jit3A_369 : i32
      %ne3A_384 = arith.constant 0 : i32
      %ne3A_385 = arith.cmpi ne, %rem3A, %ne3A_384 : i32
      %and3A = arith.andi %ne3A, %ne3A_385 : i1
      %sub3A_386 = arith.constant 1 : i32
      %sub3A_387 = arith.subi %div3A_370, %sub3A_386 : i32
      %select_n3A_388 = arith.select %and3A, %sub3A_387, %div3A_370 : i32
      %add3A_389 = arith.constant 3 : i32
      %add3A_390 = arith.addi %select_n3A_388, %add3A_389 : i32
      %jit3A_391 = arith.constant 4 : i32
      %div3A_392 = arith.divsi %add3A_390, %jit3A_391 : i32
      %sign3A_393 = arith.constant 0 : i32
      %sign3A_394 = arith.cmpi sgt, %add3A_390, %sign3A_393 : i32
      %sign3A_395 = arith.extui %sign3A_394 : i1 to i32
      %sign3A_396 = arith.constant 0 : i32
      %sign3A_397 = arith.cmpi slt, %add3A_390, %sign3A_396 : i32
      %sign3A_398 = arith.extui %sign3A_397 : i1 to i32
      %sign3A_399 = arith.subi %sign3A_395, %sign3A_398 : i32
      %sign3A_400 = arith.constant 0 : i32
      %sign3A_401 = arith.cmpi sgt, %jit3A_391, %sign3A_400 : i32
      %sign3A_402 = arith.extui %sign3A_401 : i1 to i32
      %sign3A_403 = arith.constant 0 : i32
      %sign3A_404 = arith.cmpi slt, %jit3A_391, %sign3A_403 : i32
      %sign3A_405 = arith.extui %sign3A_404 : i1 to i32
      %sign3A_406 = arith.subi %sign3A_402, %sign3A_405 : i32
      %ne3A_407 = arith.cmpi ne, %sign3A_399, %sign3A_406 : i32
      %rem3A_408 = arith.remsi %add3A_390, %jit3A_391 : i32
      %ne3A_409 = arith.constant 0 : i32
      %ne3A_410 = arith.cmpi ne, %rem3A_408, %ne3A_409 : i32
      %and3A_411 = arith.andi %ne3A_407, %ne3A_410 : i1
      %sub3A_412 = arith.constant 1 : i32
      %sub3A_413 = arith.subi %div3A_392, %sub3A_412 : i32
      %select_n3A_414 = arith.select %and3A_411, %sub3A_413, %div3A_392 : i32
      %broadcast_in_dim3A_415 = arith.constant 0 : i32
      %broadcast_in_dim3A_416 = vector.broadcast %broadcast_in_dim3A_415 : i32 to vector<16xi32>
      %add3A_417 = vector.broadcast %add3A_364 : i32 to vector<16xi32>
      %add3A_418 = arith.addi %broadcast_in_dim3A_416, %add3A_417 : vector<16xi32>
      %gather3A_419 = tpu.vector_load_idx %arg9[%add3A_418] : memref<2048xf32, #tpu.memory_space<vmem>>[vector<16xi32>], vector<16xf32>,
      %gather3A_420 = tpu.vector_load_idx %arg10[%add3A_418] : memref<2048xf32, #tpu.memory_space<vmem>>[vector<16xi32>], vector<16xf32>,
      %gather3A_421 = tpu.vector_load_idx %arg11[%add3A_418] : memref<2048xf32, #tpu.memory_space<vmem>>[vector<16xi32>], vector<16xf32>,
      %broadcast_in_dim3A_422 = arith.constant 0 : i32
      %broadcast_in_dim3A_423 = vector.broadcast %broadcast_in_dim3A_422 : i32 to vector<16xi32>
      %shift_left3A = arith.constant 1 : i32
      %shift_left3A_424 = arith.shli %shift_left3A, %scan3A_362 : i32
      %add3A_425 = vector.broadcast %shift_left3A_424 : i32 to vector<16xi32>
      %add3A_426 = arith.addi %broadcast_in_dim3A_423, %add3A_425 : vector<16xi32>
      %broadcast_in_dim3A_427 = arith.constant 0 : i32
      %broadcast_in_dim3A_428 = vector.broadcast %broadcast_in_dim3A_427 : i32 to vector<16xi32>
      %while3A = arith.constant 0 : i32
      %while3A_429 = arith.subi %select_n3A_414, %while3A : i32
      %while3A_430 = arith.addi %while3A, %while3A_429 : i32
      %while3A_431 = arith.constant 1 : i32
      %while3A_432 = arith.divsi %while3A_429, %while3A_431 : i32
      %while3A_433 = arith.muli %while3A_432, %while3A_431 : i32
      %while3A_434 = arith.addi %while3A, %while3A_433 : i32
      %while3A_435 = arith.constant 1 : i32
      %while3A_436 = scf.for %while3A_458 = %while3A to %while3A_434 step %while3A_435 iter_args(%while3A_459 = %broadcast_in_dim3A_428) -> (vector<16xi32>)  : i32 {
        %mul3A_460 = arith.constant 64 : i32
        %mul3A_461 = arith.muli %while3A_458, %mul3A_460 : i32
        %add3A_462 = arith.constant 0 : i32
        %add3A_463 = arith.addi %mul3A_461, %add3A_462 : i32
        %get3A_464 = arith.index_cast %add3A_463 : i32 to index
        %get3A_465 = tpu.vector_load %arg9[%get3A_464] {strides = array<i32>} : memref<2048xf32, #tpu.memory_space<vmem>>, vector<16xf32>,
        %get3A_466 = arith.index_cast %add3A_463 : i32 to index
        %get3A_467 = tpu.vector_load %arg10[%get3A_466] {strides = array<i32>} : memref<2048xf32, #tpu.memory_space<vmem>>, vector<16xf32>,
        %get3A_468 = arith.index_cast %add3A_463 : i32 to index
        %get3A_469 = tpu.vector_load %arg11[%get3A_468] {strides = array<i32>} : memref<2048xf32, #tpu.memory_space<vmem>>, vector<16xf32>,
        %sub3A_470 = arith.subf %get3A_465, %gather3A_419 : vector<16xf32>
        %sub3A_471 = arith.subf %get3A_467, %gather3A_420 : vector<16xf32>
        %mul3A_472 = arith.mulf %sub3A_470, %sub3A_470 : vector<16xf32>
        %mul3A_473 = arith.mulf %sub3A_471, %sub3A_471 : vector<16xf32>
        %add3A_474 = arith.addf %mul3A_472, %mul3A_473 : vector<16xf32>
        %add3A_475 = arith.constant 9.99999996E-13 : f32
        %add3A_476 = vector.broadcast %add3A_475 : f32 to vector<16xf32>
        %add3A_477 = arith.addf %add3A_474, %add3A_476 : vector<16xf32>
        %add3A_478 = arith.addf %get3A_469, %gather3A_421 : vector<16xf32>
        %mul3A_479 = arith.mulf %add3A_478, %add3A_478 : vector<16xf32>
        %lt3A = arith.cmpf olt, %add3A_477, %mul3A_479 : vector<16xf32>
        %add3A_480 = arith.constant 2048 : i32
        %add3A_481 = arith.addi %add3A_480, %add3A_463 : i32
        %get3A_482 = arith.index_cast %add3A_481 : i32 to index
        %get3A_483 = tpu.vector_load %arg13[%get3A_482] {strides = array<i32>} : memref<4096xi32, #tpu.memory_space<vmem>>, vector<16xi32>,
        %and3A_484 = arith.andi %get3A_483, %add3A_426 : vector<16xi32>
        %ne3A_485 = arith.constant 0 : i32
        %ne3A_486 = vector.broadcast %ne3A_485 : i32 to vector<16xi32>
        %ne3A_487 = arith.cmpi ne, %and3A_484, %ne3A_486 : vector<16xi32>
        %and3A_488 = arith.andi %lt3A, %ne3A_487 : vector<16xi1>
        %jit3A_489 = arith.constant 1 : i32
        %jit3A_490 = arith.constant 0 : i32
        %broadcast_in_dim3A_491 = vector.broadcast %jit3A_489 : i32 to vector<16xi32>
        %broadcast_in_dim3A_492 = vector.broadcast %jit3A_490 : i32 to vector<16xi32>
        %select_n3A_493 = arith.select %and3A_488, %broadcast_in_dim3A_491, %broadcast_in_dim3A_492 : vector<16xi1>, vector<16xi32>
        %swap3A_494 = arith.index_cast %add3A_463 : i32 to index
        %swap3A_495 = tpu.vector_load %arg14[%swap3A_494] {strides = array<i32>} : memref<2112xi32, #tpu.memory_space<vmem>>, vector<16xi32>,
        tpu.vector_store %arg14[%swap3A_494], %select_n3A_493 {strides = array<i32>} : memref<2112xi32, #tpu.memory_space<vmem>>, vector<16xi32>,
        %add3A_496 = arith.addi %while3A_459, %select_n3A_493 : vector<16xi32>
        %mul3A_497 = arith.constant 64 : i32
        %mul3A_498 = arith.muli %while3A_458, %mul3A_497 : i32
        %add3A_499 = arith.constant 16 : i32
        %add3A_500 = arith.addi %mul3A_498, %add3A_499 : i32
        %get3A_501 = arith.index_cast %add3A_500 : i32 to index
        %get3A_502 = tpu.vector_load %arg9[%get3A_501] {strides = array<i32>} : memref<2048xf32, #tpu.memory_space<vmem>>, vector<16xf32>,
        %get3A_503 = arith.index_cast %add3A_500 : i32 to index
        %get3A_504 = tpu.vector_load %arg10[%get3A_503] {strides = array<i32>} : memref<2048xf32, #tpu.memory_space<vmem>>, vector<16xf32>,
        %get3A_505 = arith.index_cast %add3A_500 : i32 to index
        %get3A_506 = tpu.vector_load %arg11[%get3A_505] {strides = array<i32>} : memref<2048xf32, #tpu.memory_space<vmem>>, vector<16xf32>,
        %sub3A_507 = arith.subf %get3A_502, %gather3A_419 : vector<16xf32>
        %sub3A_508 = arith.subf %get3A_504, %gather3A_420 : vector<16xf32>
        %mul3A_509 = arith.mulf %sub3A_507, %sub3A_507 : vector<16xf32>
        %mul3A_510 = arith.mulf %sub3A_508, %sub3A_508 : vector<16xf32>
        %add3A_511 = arith.addf %mul3A_509, %mul3A_510 : vector<16xf32>
        %add3A_512 = arith.constant 9.99999996E-13 : f32
        %add3A_513 = vector.broadcast %add3A_512 : f32 to vector<16xf32>
        %add3A_514 = arith.addf %add3A_511, %add3A_513 : vector<16xf32>
        %add3A_515 = arith.addf %get3A_506, %gather3A_421 : vector<16xf32>
        %mul3A_516 = arith.mulf %add3A_515, %add3A_515 : vector<16xf32>
        %lt3A_517 = arith.cmpf olt, %add3A_514, %mul3A_516 : vector<16xf32>
        %add3A_518 = arith.constant 2048 : i32
        %add3A_519 = arith.addi %add3A_518, %add3A_500 : i32
        %get3A_520 = arith.index_cast %add3A_519 : i32 to index
        %get3A_521 = tpu.vector_load %arg13[%get3A_520] {strides = array<i32>} : memref<4096xi32, #tpu.memory_space<vmem>>, vector<16xi32>,
        %and3A_522 = arith.andi %get3A_521, %add3A_426 : vector<16xi32>
        %ne3A_523 = arith.constant 0 : i32
        %ne3A_524 = vector.broadcast %ne3A_523 : i32 to vector<16xi32>
        %ne3A_525 = arith.cmpi ne, %and3A_522, %ne3A_524 : vector<16xi32>
        %and3A_526 = arith.andi %lt3A_517, %ne3A_525 : vector<16xi1>
        %jit3A_527 = arith.constant 1 : i32
        %jit3A_528 = arith.constant 0 : i32
        %broadcast_in_dim3A_529 = vector.broadcast %jit3A_527 : i32 to vector<16xi32>
        %broadcast_in_dim3A_530 = vector.broadcast %jit3A_528 : i32 to vector<16xi32>
        %select_n3A_531 = arith.select %and3A_526, %broadcast_in_dim3A_529, %broadcast_in_dim3A_530 : vector<16xi1>, vector<16xi32>
        %swap3A_532 = arith.index_cast %add3A_500 : i32 to index
        %swap3A_533 = tpu.vector_load %arg14[%swap3A_532] {strides = array<i32>} : memref<2112xi32, #tpu.memory_space<vmem>>, vector<16xi32>,
        tpu.vector_store %arg14[%swap3A_532], %select_n3A_531 {strides = array<i32>} : memref<2112xi32, #tpu.memory_space<vmem>>, vector<16xi32>,
        %add3A_534 = arith.addi %add3A_496, %select_n3A_531 : vector<16xi32>
        %mul3A_535 = arith.constant 64 : i32
        %mul3A_536 = arith.muli %while3A_458, %mul3A_535 : i32
        %add3A_537 = arith.constant 32 : i32
        %add3A_538 = arith.addi %mul3A_536, %add3A_537 : i32
        %get3A_539 = arith.index_cast %add3A_538 : i32 to index
        %get3A_540 = tpu.vector_load %arg9[%get3A_539] {strides = array<i32>} : memref<2048xf32, #tpu.memory_space<vmem>>, vector<16xf32>,
        %get3A_541 = arith.index_cast %add3A_538 : i32 to index
        %get3A_542 = tpu.vector_load %arg10[%get3A_541] {strides = array<i32>} : memref<2048xf32, #tpu.memory_space<vmem>>, vector<16xf32>,
        %get3A_543 = arith.index_cast %add3A_538 : i32 to index
        %get3A_544 = tpu.vector_load %arg11[%get3A_543] {strides = array<i32>} : memref<2048xf32, #tpu.memory_space<vmem>>, vector<16xf32>,
        %sub3A_545 = arith.subf %get3A_540, %gather3A_419 : vector<16xf32>
        %sub3A_546 = arith.subf %get3A_542, %gather3A_420 : vector<16xf32>
        %mul3A_547 = arith.mulf %sub3A_545, %sub3A_545 : vector<16xf32>
        %mul3A_548 = arith.mulf %sub3A_546, %sub3A_546 : vector<16xf32>
        %add3A_549 = arith.addf %mul3A_547, %mul3A_548 : vector<16xf32>
        %add3A_550 = arith.constant 9.99999996E-13 : f32
        %add3A_551 = vector.broadcast %add3A_550 : f32 to vector<16xf32>
        %add3A_552 = arith.addf %add3A_549, %add3A_551 : vector<16xf32>
        %add3A_553 = arith.addf %get3A_544, %gather3A_421 : vector<16xf32>
        %mul3A_554 = arith.mulf %add3A_553, %add3A_553 : vector<16xf32>
        %lt3A_555 = arith.cmpf olt, %add3A_552, %mul3A_554 : vector<16xf32>
        %add3A_556 = arith.constant 2048 : i32
        %add3A_557 = arith.addi %add3A_556, %add3A_538 : i32
        %get3A_558 = arith.index_cast %add3A_557 : i32 to index
        %get3A_559 = tpu.vector_load %arg13[%get3A_558] {strides = array<i32>} : memref<4096xi32, #tpu.memory_space<vmem>>, vector<16xi32>,
        %and3A_560 = arith.andi %get3A_559, %add3A_426 : vector<16xi32>
        %ne3A_561 = arith.constant 0 : i32
        %ne3A_562 = vector.broadcast %ne3A_561 : i32 to vector<16xi32>
        %ne3A_563 = arith.cmpi ne, %and3A_560, %ne3A_562 : vector<16xi32>
        %and3A_564 = arith.andi %lt3A_555, %ne3A_563 : vector<16xi1>
        %jit3A_565 = arith.constant 1 : i32
        %jit3A_566 = arith.constant 0 : i32
        %broadcast_in_dim3A_567 = vector.broadcast %jit3A_565 : i32 to vector<16xi32>
        %broadcast_in_dim3A_568 = vector.broadcast %jit3A_566 : i32 to vector<16xi32>
        %select_n3A_569 = arith.select %and3A_564, %broadcast_in_dim3A_567, %broadcast_in_dim3A_568 : vector<16xi1>, vector<16xi32>
        %swap3A_570 = arith.index_cast %add3A_538 : i32 to index
        %swap3A_571 = tpu.vector_load %arg14[%swap3A_570] {strides = array<i32>} : memref<2112xi32, #tpu.memory_space<vmem>>, vector<16xi32>,
        tpu.vector_store %arg14[%swap3A_570], %select_n3A_569 {strides = array<i32>} : memref<2112xi32, #tpu.memory_space<vmem>>, vector<16xi32>,
        %add3A_572 = arith.addi %add3A_534, %select_n3A_569 : vector<16xi32>
        %mul3A_573 = arith.constant 64 : i32
        %mul3A_574 = arith.muli %while3A_458, %mul3A_573 : i32
        %add3A_575 = arith.constant 48 : i32
        %add3A_576 = arith.addi %mul3A_574, %add3A_575 : i32
        %get3A_577 = arith.index_cast %add3A_576 : i32 to index
        %get3A_578 = tpu.vector_load %arg9[%get3A_577] {strides = array<i32>} : memref<2048xf32, #tpu.memory_space<vmem>>, vector<16xf32>,
        %get3A_579 = arith.index_cast %add3A_576 : i32 to index
        %get3A_580 = tpu.vector_load %arg10[%get3A_579] {strides = array<i32>} : memref<2048xf32, #tpu.memory_space<vmem>>, vector<16xf32>,
        %get3A_581 = arith.index_cast %add3A_576 : i32 to index
        %get3A_582 = tpu.vector_load %arg11[%get3A_581] {strides = array<i32>} : memref<2048xf32, #tpu.memory_space<vmem>>, vector<16xf32>,
        %sub3A_583 = arith.subf %get3A_578, %gather3A_419 : vector<16xf32>
        %sub3A_584 = arith.subf %get3A_580, %gather3A_420 : vector<16xf32>
        %mul3A_585 = arith.mulf %sub3A_583, %sub3A_583 : vector<16xf32>
        %mul3A_586 = arith.mulf %sub3A_584, %sub3A_584 : vector<16xf32>
        %add3A_587 = arith.addf %mul3A_585, %mul3A_586 : vector<16xf32>
        %add3A_588 = arith.constant 9.99999996E-13 : f32
        %add3A_589 = vector.broadcast %add3A_588 : f32 to vector<16xf32>
        %add3A_590 = arith.addf %add3A_587, %add3A_589 : vector<16xf32>
        %add3A_591 = arith.addf %get3A_582, %gather3A_421 : vector<16xf32>
        %mul3A_592 = arith.mulf %add3A_591, %add3A_591 : vector<16xf32>
        %lt3A_593 = arith.cmpf olt, %add3A_590, %mul3A_592 : vector<16xf32>
        %add3A_594 = arith.constant 2048 : i32
        %add3A_595 = arith.addi %add3A_594, %add3A_576 : i32
        %get3A_596 = arith.index_cast %add3A_595 : i32 to index
        %get3A_597 = tpu.vector_load %arg13[%get3A_596] {strides = array<i32>} : memref<4096xi32, #tpu.memory_space<vmem>>, vector<16xi32>,
        %and3A_598 = arith.andi %get3A_597, %add3A_426 : vector<16xi32>
        %ne3A_599 = arith.constant 0 : i32
        %ne3A_600 = vector.broadcast %ne3A_599 : i32 to vector<16xi32>
        %ne3A_601 = arith.cmpi ne, %and3A_598, %ne3A_600 : vector<16xi32>
        %and3A_602 = arith.andi %lt3A_593, %ne3A_601 : vector<16xi1>
        %jit3A_603 = arith.constant 1 : i32
        %jit3A_604 = arith.constant 0 : i32
        %broadcast_in_dim3A_605 = vector.broadcast %jit3A_603 : i32 to vector<16xi32>
        %broadcast_in_dim3A_606 = vector.broadcast %jit3A_604 : i32 to vector<16xi32>
        %select_n3A_607 = arith.select %and3A_602, %broadcast_in_dim3A_605, %broadcast_in_dim3A_606 : vector<16xi1>, vector<16xi32>
        %swap3A_608 = arith.index_cast %add3A_576 : i32 to index
        %swap3A_609 = tpu.vector_load %arg14[%swap3A_608] {strides = array<i32>} : memref<2112xi32, #tpu.memory_space<vmem>>, vector<16xi32>,
        tpu.vector_store %arg14[%swap3A_608], %select_n3A_607 {strides = array<i32>} : memref<2112xi32, #tpu.memory_space<vmem>>, vector<16xi32>,
        %add3A_610 = arith.addi %add3A_572, %select_n3A_607 : vector<16xi32>
        scf.yield %add3A_610 : vector<16xi32>
      }
      %while3A_437 = arith.constant 1 : i32
      %while3A_438 = scf.for %while3A_458 = %while3A_434 to %while3A_430 step %while3A_437 iter_args(%while3A_459 = %while3A_436) -> (vector<16xi32>)  : i32 {
        %mul3A_460 = arith.constant 64 : i32
        %mul3A_461 = arith.muli %while3A_458, %mul3A_460 : i32
        %add3A_462 = arith.constant 0 : i32
        %add3A_463 = arith.addi %mul3A_461, %add3A_462 : i32
        %get3A_464 = arith.index_cast %add3A_463 : i32 to index
        %get3A_465 = tpu.vector_load %arg9[%get3A_464] {strides = array<i32>} : memref<2048xf32, #tpu.memory_space<vmem>>, vector<16xf32>,
        %get3A_466 = arith.index_cast %add3A_463 : i32 to index
        %get3A_467 = tpu.vector_load %arg10[%get3A_466] {strides = array<i32>} : memref<2048xf32, #tpu.memory_space<vmem>>, vector<16xf32>,
        %get3A_468 = arith.index_cast %add3A_463 : i32 to index
        %get3A_469 = tpu.vector_load %arg11[%get3A_468] {strides = array<i32>} : memref<2048xf32, #tpu.memory_space<vmem>>, vector<16xf32>,
        %sub3A_470 = arith.subf %get3A_465, %gather3A_419 : vector<16xf32>
        %sub3A_471 = arith.subf %get3A_467, %gather3A_420 : vector<16xf32>
        %mul3A_472 = arith.mulf %sub3A_470, %sub3A_470 : vector<16xf32>
        %mul3A_473 = arith.mulf %sub3A_471, %sub3A_471 : vector<16xf32>
        %add3A_474 = arith.addf %mul3A_472, %mul3A_473 : vector<16xf32>
        %add3A_475 = arith.constant 9.99999996E-13 : f32
        %add3A_476 = vector.broadcast %add3A_475 : f32 to vector<16xf32>
        %add3A_477 = arith.addf %add3A_474, %add3A_476 : vector<16xf32>
        %add3A_478 = arith.addf %get3A_469, %gather3A_421 : vector<16xf32>
        %mul3A_479 = arith.mulf %add3A_478, %add3A_478 : vector<16xf32>
        %lt3A = arith.cmpf olt, %add3A_477, %mul3A_479 : vector<16xf32>
        %add3A_480 = arith.constant 2048 : i32
        %add3A_481 = arith.addi %add3A_480, %add3A_463 : i32
        %get3A_482 = arith.index_cast %add3A_481 : i32 to index
        %get3A_483 = tpu.vector_load %arg13[%get3A_482] {strides = array<i32>} : memref<4096xi32, #tpu.memory_space<vmem>>, vector<16xi32>,
        %and3A_484 = arith.andi %get3A_483, %add3A_426 : vector<16xi32>
        %ne3A_485 = arith.constant 0 : i32
        %ne3A_486 = vector.broadcast %ne3A_485 : i32 to vector<16xi32>
        %ne3A_487 = arith.cmpi ne, %and3A_484, %ne3A_486 : vector<16xi32>
        %and3A_488 = arith.andi %lt3A, %ne3A_487 : vector<16xi1>
        %jit3A_489 = arith.constant 1 : i32
        %jit3A_490 = arith.constant 0 : i32
        %broadcast_in_dim3A_491 = vector.broadcast %jit3A_489 : i32 to vector<16xi32>
        %broadcast_in_dim3A_492 = vector.broadcast %jit3A_490 : i32 to vector<16xi32>
        %select_n3A_493 = arith.select %and3A_488, %broadcast_in_dim3A_491, %broadcast_in_dim3A_492 : vector<16xi1>, vector<16xi32>
        %swap3A_494 = arith.index_cast %add3A_463 : i32 to index
        %swap3A_495 = tpu.vector_load %arg14[%swap3A_494] {strides = array<i32>} : memref<2112xi32, #tpu.memory_space<vmem>>, vector<16xi32>,
        tpu.vector_store %arg14[%swap3A_494], %select_n3A_493 {strides = array<i32>} : memref<2112xi32, #tpu.memory_space<vmem>>, vector<16xi32>,
        %add3A_496 = arith.addi %while3A_459, %select_n3A_493 : vector<16xi32>
        %mul3A_497 = arith.constant 64 : i32
        %mul3A_498 = arith.muli %while3A_458, %mul3A_497 : i32
        %add3A_499 = arith.constant 16 : i32
        %add3A_500 = arith.addi %mul3A_498, %add3A_499 : i32
        %get3A_501 = arith.index_cast %add3A_500 : i32 to index
        %get3A_502 = tpu.vector_load %arg9[%get3A_501] {strides = array<i32>} : memref<2048xf32, #tpu.memory_space<vmem>>, vector<16xf32>,
        %get3A_503 = arith.index_cast %add3A_500 : i32 to index
        %get3A_504 = tpu.vector_load %arg10[%get3A_503] {strides = array<i32>} : memref<2048xf32, #tpu.memory_space<vmem>>, vector<16xf32>,
        %get3A_505 = arith.index_cast %add3A_500 : i32 to index
        %get3A_506 = tpu.vector_load %arg11[%get3A_505] {strides = array<i32>} : memref<2048xf32, #tpu.memory_space<vmem>>, vector<16xf32>,
        %sub3A_507 = arith.subf %get3A_502, %gather3A_419 : vector<16xf32>
        %sub3A_508 = arith.subf %get3A_504, %gather3A_420 : vector<16xf32>
        %mul3A_509 = arith.mulf %sub3A_507, %sub3A_507 : vector<16xf32>
        %mul3A_510 = arith.mulf %sub3A_508, %sub3A_508 : vector<16xf32>
        %add3A_511 = arith.addf %mul3A_509, %mul3A_510 : vector<16xf32>
        %add3A_512 = arith.constant 9.99999996E-13 : f32
        %add3A_513 = vector.broadcast %add3A_512 : f32 to vector<16xf32>
        %add3A_514 = arith.addf %add3A_511, %add3A_513 : vector<16xf32>
        %add3A_515 = arith.addf %get3A_506, %gather3A_421 : vector<16xf32>
        %mul3A_516 = arith.mulf %add3A_515, %add3A_515 : vector<16xf32>
        %lt3A_517 = arith.cmpf olt, %add3A_514, %mul3A_516 : vector<16xf32>
        %add3A_518 = arith.constant 2048 : i32
        %add3A_519 = arith.addi %add3A_518, %add3A_500 : i32
        %get3A_520 = arith.index_cast %add3A_519 : i32 to index
        %get3A_521 = tpu.vector_load %arg13[%get3A_520] {strides = array<i32>} : memref<4096xi32, #tpu.memory_space<vmem>>, vector<16xi32>,
        %and3A_522 = arith.andi %get3A_521, %add3A_426 : vector<16xi32>
        %ne3A_523 = arith.constant 0 : i32
        %ne3A_524 = vector.broadcast %ne3A_523 : i32 to vector<16xi32>
        %ne3A_525 = arith.cmpi ne, %and3A_522, %ne3A_524 : vector<16xi32>
        %and3A_526 = arith.andi %lt3A_517, %ne3A_525 : vector<16xi1>
        %jit3A_527 = arith.constant 1 : i32
        %jit3A_528 = arith.constant 0 : i32
        %broadcast_in_dim3A_529 = vector.broadcast %jit3A_527 : i32 to vector<16xi32>
        %broadcast_in_dim3A_530 = vector.broadcast %jit3A_528 : i32 to vector<16xi32>
        %select_n3A_531 = arith.select %and3A_526, %broadcast_in_dim3A_529, %broadcast_in_dim3A_530 : vector<16xi1>, vector<16xi32>
        %swap3A_532 = arith.index_cast %add3A_500 : i32 to index
        %swap3A_533 = tpu.vector_load %arg14[%swap3A_532] {strides = array<i32>} : memref<2112xi32, #tpu.memory_space<vmem>>, vector<16xi32>,
        tpu.vector_store %arg14[%swap3A_532], %select_n3A_531 {strides = array<i32>} : memref<2112xi32, #tpu.memory_space<vmem>>, vector<16xi32>,
        %add3A_534 = arith.addi %add3A_496, %select_n3A_531 : vector<16xi32>
        %mul3A_535 = arith.constant 64 : i32
        %mul3A_536 = arith.muli %while3A_458, %mul3A_535 : i32
        %add3A_537 = arith.constant 32 : i32
        %add3A_538 = arith.addi %mul3A_536, %add3A_537 : i32
        %get3A_539 = arith.index_cast %add3A_538 : i32 to index
        %get3A_540 = tpu.vector_load %arg9[%get3A_539] {strides = array<i32>} : memref<2048xf32, #tpu.memory_space<vmem>>, vector<16xf32>,
        %get3A_541 = arith.index_cast %add3A_538 : i32 to index
        %get3A_542 = tpu.vector_load %arg10[%get3A_541] {strides = array<i32>} : memref<2048xf32, #tpu.memory_space<vmem>>, vector<16xf32>,
        %get3A_543 = arith.index_cast %add3A_538 : i32 to index
        %get3A_544 = tpu.vector_load %arg11[%get3A_543] {strides = array<i32>} : memref<2048xf32, #tpu.memory_space<vmem>>, vector<16xf32>,
        %sub3A_545 = arith.subf %get3A_540, %gather3A_419 : vector<16xf32>
        %sub3A_546 = arith.subf %get3A_542, %gather3A_420 : vector<16xf32>
        %mul3A_547 = arith.mulf %sub3A_545, %sub3A_545 : vector<16xf32>
        %mul3A_548 = arith.mulf %sub3A_546, %sub3A_546 : vector<16xf32>
        %add3A_549 = arith.addf %mul3A_547, %mul3A_548 : vector<16xf32>
        %add3A_550 = arith.constant 9.99999996E-13 : f32
        %add3A_551 = vector.broadcast %add3A_550 : f32 to vector<16xf32>
        %add3A_552 = arith.addf %add3A_549, %add3A_551 : vector<16xf32>
        %add3A_553 = arith.addf %get3A_544, %gather3A_421 : vector<16xf32>
        %mul3A_554 = arith.mulf %add3A_553, %add3A_553 : vector<16xf32>
        %lt3A_555 = arith.cmpf olt, %add3A_552, %mul3A_554 : vector<16xf32>
        %add3A_556 = arith.constant 2048 : i32
        %add3A_557 = arith.addi %add3A_556, %add3A_538 : i32
        %get3A_558 = arith.index_cast %add3A_557 : i32 to index
        %get3A_559 = tpu.vector_load %arg13[%get3A_558] {strides = array<i32>} : memref<4096xi32, #tpu.memory_space<vmem>>, vector<16xi32>,
        %and3A_560 = arith.andi %get3A_559, %add3A_426 : vector<16xi32>
        %ne3A_561 = arith.constant 0 : i32
        %ne3A_562 = vector.broadcast %ne3A_561 : i32 to vector<16xi32>
        %ne3A_563 = arith.cmpi ne, %and3A_560, %ne3A_562 : vector<16xi32>
        %and3A_564 = arith.andi %lt3A_555, %ne3A_563 : vector<16xi1>
        %jit3A_565 = arith.constant 1 : i32
        %jit3A_566 = arith.constant 0 : i32
        %broadcast_in_dim3A_567 = vector.broadcast %jit3A_565 : i32 to vector<16xi32>
        %broadcast_in_dim3A_568 = vector.broadcast %jit3A_566 : i32 to vector<16xi32>
        %select_n3A_569 = arith.select %and3A_564, %broadcast_in_dim3A_567, %broadcast_in_dim3A_568 : vector<16xi1>, vector<16xi32>
        %swap3A_570 = arith.index_cast %add3A_538 : i32 to index
        %swap3A_571 = tpu.vector_load %arg14[%swap3A_570] {strides = array<i32>} : memref<2112xi32, #tpu.memory_space<vmem>>, vector<16xi32>,
        tpu.vector_store %arg14[%swap3A_570], %select_n3A_569 {strides = array<i32>} : memref<2112xi32, #tpu.memory_space<vmem>>, vector<16xi32>,
        %add3A_572 = arith.addi %add3A_534, %select_n3A_569 : vector<16xi32>
        %mul3A_573 = arith.constant 64 : i32
        %mul3A_574 = arith.muli %while3A_458, %mul3A_573 : i32
        %add3A_575 = arith.constant 48 : i32
        %add3A_576 = arith.addi %mul3A_574, %add3A_575 : i32
        %get3A_577 = arith.index_cast %add3A_576 : i32 to index
        %get3A_578 = tpu.vector_load %arg9[%get3A_577] {strides = array<i32>} : memref<2048xf32, #tpu.memory_space<vmem>>, vector<16xf32>,
        %get3A_579 = arith.index_cast %add3A_576 : i32 to index
        %get3A_580 = tpu.vector_load %arg10[%get3A_579] {strides = array<i32>} : memref<2048xf32, #tpu.memory_space<vmem>>, vector<16xf32>,
        %get3A_581 = arith.index_cast %add3A_576 : i32 to index
        %get3A_582 = tpu.vector_load %arg11[%get3A_581] {strides = array<i32>} : memref<2048xf32, #tpu.memory_space<vmem>>, vector<16xf32>,
        %sub3A_583 = arith.subf %get3A_578, %gather3A_419 : vector<16xf32>
        %sub3A_584 = arith.subf %get3A_580, %gather3A_420 : vector<16xf32>
        %mul3A_585 = arith.mulf %sub3A_583, %sub3A_583 : vector<16xf32>
        %mul3A_586 = arith.mulf %sub3A_584, %sub3A_584 : vector<16xf32>
        %add3A_587 = arith.addf %mul3A_585, %mul3A_586 : vector<16xf32>
        %add3A_588 = arith.constant 9.99999996E-13 : f32
        %add3A_589 = vector.broadcast %add3A_588 : f32 to vector<16xf32>
        %add3A_590 = arith.addf %add3A_587, %add3A_589 : vector<16xf32>
        %add3A_591 = arith.addf %get3A_582, %gather3A_421 : vector<16xf32>
        %mul3A_592 = arith.mulf %add3A_591, %add3A_591 : vector<16xf32>
        %lt3A_593 = arith.cmpf olt, %add3A_590, %mul3A_592 : vector<16xf32>
        %add3A_594 = arith.constant 2048 : i32
        %add3A_595 = arith.addi %add3A_594, %add3A_576 : i32
        %get3A_596 = arith.index_cast %add3A_595 : i32 to index
        %get3A_597 = tpu.vector_load %arg13[%get3A_596] {strides = array<i32>} : memref<4096xi32, #tpu.memory_space<vmem>>, vector<16xi32>,
        %and3A_598 = arith.andi %get3A_597, %add3A_426 : vector<16xi32>
        %ne3A_599 = arith.constant 0 : i32
        %ne3A_600 = vector.broadcast %ne3A_599 : i32 to vector<16xi32>
        %ne3A_601 = arith.cmpi ne, %and3A_598, %ne3A_600 : vector<16xi32>
        %and3A_602 = arith.andi %lt3A_593, %ne3A_601 : vector<16xi1>
        %jit3A_603 = arith.constant 1 : i32
        %jit3A_604 = arith.constant 0 : i32
        %broadcast_in_dim3A_605 = vector.broadcast %jit3A_603 : i32 to vector<16xi32>
        %broadcast_in_dim3A_606 = vector.broadcast %jit3A_604 : i32 to vector<16xi32>
        %select_n3A_607 = arith.select %and3A_602, %broadcast_in_dim3A_605, %broadcast_in_dim3A_606 : vector<16xi1>, vector<16xi32>
        %swap3A_608 = arith.index_cast %add3A_576 : i32 to index
        %swap3A_609 = tpu.vector_load %arg14[%swap3A_608] {strides = array<i32>} : memref<2112xi32, #tpu.memory_space<vmem>>, vector<16xi32>,
        tpu.vector_store %arg14[%swap3A_608], %select_n3A_607 {strides = array<i32>} : memref<2112xi32, #tpu.memory_space<vmem>>, vector<16xi32>,
        %add3A_610 = arith.addi %add3A_572, %select_n3A_607 : vector<16xi32>
        scf.yield %add3A_610 : vector<16xi32>
      }
      %reduce_sum3A = arith.constant true
      %reduce_sum3A_439 = vector.broadcast %reduce_sum3A : i1 to vector<16xi1>
      %reduce_sum3A_440 = tpu.scan <sum>, %while3A_438 masked %reduce_sum3A_439 : vector<16xi32>, vector<16xi1> -> vector<16xi32>
      %reduce_sum3A_441 = vector.extract %reduce_sum3A_440[15] : i32 from vector<16xi32>
      %gt3A = arith.constant 0 : i32
      %gt3A_442 = arith.cmpi sgt, %reduce_sum3A_441, %gt3A : i32
      %convert_element_type3A = arith.extui %gt3A_442 : i1 to i32
      %cond3A = arith.constant 0 : i32
      %cond3A_443 = arith.cmpi ne, %convert_element_type3A, %cond3A : i32
      %cond3A_444 = scf.if %cond3A_443 -> (i32) {
        %convert_element_type3A_458 = arith.sitofp %reduce_sum3A_441 : i32 to f32
        %broadcast_in_dim3A_459 = arith.constant 1.000000e+00 : f32
        %broadcast_in_dim3A_460 = vector.broadcast %broadcast_in_dim3A_459 : f32 to vector<16xf32>
        %div3A_461 = vector.broadcast %convert_element_type3A_458 : f32 to vector<16xf32>
        %div3A_462 = arith.divf %broadcast_in_dim3A_460, %div3A_461 : vector<16xf32>
        %add3A_463 = arith.constant 1 : i32
        %add3A_464 = arith.addi %reduce_sum3A_441, %add3A_463 : i32
        %broadcast_in_dim3A_465 = arith.constant 0.000000e+00 : f32
        %broadcast_in_dim3A_466 = vector.broadcast %broadcast_in_dim3A_465 : f32 to vector<16xf32>
        %while3A_467 = arith.constant 1 : i32
        %while3A_468 = arith.subi %add3A_464, %while3A_467 : i32
        %while3A_469 = arith.addi %while3A_467, %while3A_468 : i32
        %while3A_470 = arith.constant 1 : i32
        %while3A_471 = arith.divsi %while3A_468, %while3A_470 : i32
        %while3A_472 = arith.muli %while3A_471, %while3A_470 : i32
        %while3A_473 = arith.addi %while3A_467, %while3A_472 : i32
        %while3A_474 = arith.constant 1 : i32
        %while3A_475 = scf.for %while3A_525 = %while3A_467 to %while3A_473 step %while3A_474 iter_args(%while3A_526 = %broadcast_in_dim3A_466) -> (vector<16xf32>)  : i32 {
          %add3A_527 = arith.addf %while3A_526, %div3A_462 : vector<16xf32>
          scf.yield %add3A_527 : vector<16xf32>
        }
        %while3A_476 = arith.constant 1 : i32
        %while3A_477 = scf.for %while3A_525 = %while3A_473 to %while3A_469 step %while3A_476 iter_args(%while3A_526 = %while3A_475) -> (vector<16xf32>)  : i32 {
          %add3A_527 = arith.addf %while3A_526, %div3A_462 : vector<16xf32>
          scf.yield %add3A_527 : vector<16xf32>
        }
        %broadcast_in_dim3A_478 = arith.constant 0 : i32
        %broadcast_in_dim3A_479 = vector.broadcast %broadcast_in_dim3A_478 : i32 to vector<16xi32>
        %add3A_480 = arith.constant 32 : i32
        %add3A_481 = arith.addi %add3A_480, %scan3A_362 : i32
        %add3A_482 = vector.broadcast %add3A_481 : i32 to vector<16xi32>
        %add3A_483 = arith.addi %broadcast_in_dim3A_479, %add3A_482 : vector<16xi32>
        %gather3A_484 = tpu.vector_load_idx %arg12[%add3A_483] : memref<64xf32, #tpu.memory_space<vmem>>[vector<16xi32>], vector<16xf32>,
        %sub3A_485 = arith.constant 1.000000e+00 : f32
        %sub3A_486 = vector.broadcast %sub3A_485 : f32 to vector<16xf32>
        %sub3A_487 = arith.subf %sub3A_486, %gather3A_484 : vector<16xf32>
        %mul3A_488 = arith.mulf %while3A_477, %sub3A_487 : vector<16xf32>
        %add3A_489 = arith.constant 1 : i32
        %add3A_490 = arith.addi %reduce_sum3A_441, %add3A_489 : i32
        %broadcast_in_dim3A_491 = arith.constant 0.000000e+00 : f32
        %broadcast_in_dim3A_492 = vector.broadcast %broadcast_in_dim3A_491 : f32 to vector<16xf32>
        %broadcast_in_dim3A_493 = arith.constant 0 : i32
        %broadcast_in_dim3A_494 = vector.broadcast %broadcast_in_dim3A_493 : i32 to vector<16xi32>
        %while3A_495 = arith.constant 1 : i32
        %while3A_496 = arith.subi %add3A_490, %while3A_495 : i32
        %while3A_497 = arith.addi %while3A_495, %while3A_496 : i32
        %while3A_498 = arith.constant 1 : i32
        %while3A_499 = arith.divsi %while3A_496, %while3A_498 : i32
        %while3A_500 = arith.muli %while3A_499, %while3A_498 : i32
        %while3A_501 = arith.addi %while3A_495, %while3A_500 : i32
        %while3A_502 = arith.constant 1 : i32
        %while3A_503:2 = scf.for %while3A_525 = %while3A_495 to %while3A_501 step %while3A_502 iter_args(%while3A_526 = %broadcast_in_dim3A_492, %while3A_527 = %broadcast_in_dim3A_494) -> (vector<16xf32>, vector<16xi32>)  : i32 {
          %add3A_528 = arith.addf %while3A_526, %div3A_462 : vector<16xf32>
          %lt3A = arith.cmpf olt, %add3A_528, %mul3A_488 : vector<16xf32>
          %jit3A_529 = arith.constant 1 : i32
          %jit3A_530 = arith.constant 0 : i32
          %broadcast_in_dim3A_531 = vector.broadcast %jit3A_529 : i32 to vector<16xi32>
          %broadcast_in_dim3A_532 = vector.broadcast %jit3A_530 : i32 to vector<16xi32>
          %select_n3A_533 = arith.select %lt3A, %broadcast_in_dim3A_531, %broadcast_in_dim3A_532 : vector<16xi1>, vector<16xi32>
          %add3A_534 = arith.addi %while3A_527, %select_n3A_533 : vector<16xi32>
          scf.yield %add3A_528, %add3A_534 : vector<16xf32>, vector<16xi32>
        }
        %while3A_504 = arith.constant 1 : i32
        %while3A_505:2 = scf.for %while3A_525 = %while3A_501 to %while3A_497 step %while3A_504 iter_args(%while3A_526 = %while3A_503#0, %while3A_527 = %while3A_503#1) -> (vector<16xf32>, vector<16xi32>)  : i32 {
          %add3A_528 = arith.addf %while3A_526, %div3A_462 : vector<16xf32>
          %lt3A = arith.cmpf olt, %add3A_528, %mul3A_488 : vector<16xf32>
          %jit3A_529 = arith.constant 1 : i32
          %jit3A_530 = arith.constant 0 : i32
          %broadcast_in_dim3A_531 = vector.broadcast %jit3A_529 : i32 to vector<16xi32>
          %broadcast_in_dim3A_532 = vector.broadcast %jit3A_530 : i32 to vector<16xi32>
          %select_n3A_533 = arith.select %lt3A, %broadcast_in_dim3A_531, %broadcast_in_dim3A_532 : vector<16xi1>, vector<16xi32>
          %add3A_534 = arith.addi %while3A_527, %select_n3A_533 : vector<16xi32>
          scf.yield %add3A_528, %add3A_534 : vector<16xf32>, vector<16xi32>
        }
        %reduce_max3A = arith.constant true
        %reduce_max3A_506 = vector.broadcast %reduce_max3A : i1 to vector<16xi1>
        %reduce_max3A_507 = arith.constant -2147483648 : i32
        %reduce_max3A_508 = vector.broadcast %reduce_max3A_507 : i32 to vector<16xi32>
        %reduce_max3A_509 = arith.xori %while3A_505#1, %reduce_max3A_508 : vector<16xi32>
        %reduce_max3A_510 = tpu.scan <max>, %reduce_max3A_509 masked %reduce_max3A_506 : vector<16xi32>, vector<16xi1> -> vector<16xi32>
        %reduce_max3A_511 = arith.xori %reduce_max3A_510, %reduce_max3A_508 : vector<16xi32>
        %reduce_max3A_512 = vector.extract %reduce_max3A_511[15] : i32 from vector<16xi32>
        %add3A_513 = arith.constant 1 : i32
        %add3A_514 = arith.addi %reduce_max3A_512, %add3A_513 : i32
        %while3A_515 = arith.constant 0 : i32
        %while3A_516 = arith.constant 0 : i32
        %while3A_517 = arith.constant 0 : i32
        %while3A_518:3 = scf.while (%while3A_525 = %while3A_515, %while3A_526 = %while3A_516, %while3A_527 = %while3A_517) : (i32, i32, i32) -> (i32, i32, i32) {
          %lt3A = arith.cmpi slt, %while3A_525, %select_n3A_414 : i32
          %lt3A_528 = arith.cmpi slt, %while3A_526, %add3A_514 : i32
          %and3A_529 = arith.andi %lt3A, %lt3A_528 : i1
          scf.condition(%and3A_529) %while3A_525, %while3A_526, %while3A_527 : i32, i32, i32
        } do {
        ^bb0(%while3A_525: i32, %while3A_526: i32, %while3A_527: i32):
          %mul3A_528 = arith.constant 64 : i32
          %mul3A_529 = arith.muli %while3A_525, %mul3A_528 : i32
          %get3A_530 = arith.index_cast %mul3A_529 : i32 to index
          %get3A_531 = tpu.vector_load %arg14[%get3A_530] {strides = array<i32>} : memref<2112xi32, #tpu.memory_space<vmem>>, vector<16xi32>,
          %add3A_532 = arith.constant 16 : i32
          %add3A_533 = arith.addi %mul3A_529, %add3A_532 : i32
          %get3A_534 = arith.index_cast %add3A_533 : i32 to index
          %get3A_535 = tpu.vector_load %arg14[%get3A_534] {strides = array<i32>} : memref<2112xi32, #tpu.memory_space<vmem>>, vector<16xi32>,
          %add3A_536 = arith.addi %get3A_531, %get3A_535 : vector<16xi32>
          %add3A_537 = arith.constant 32 : i32
          %add3A_538 = arith.addi %mul3A_529, %add3A_537 : i32
          %get3A_539 = arith.index_cast %add3A_538 : i32 to index
          %get3A_540 = tpu.vector_load %arg14[%get3A_539] {strides = array<i32>} : memref<2112xi32, #tpu.memory_space<vmem>>, vector<16xi32>,
          %add3A_541 = arith.addi %add3A_536, %get3A_540 : vector<16xi32>
          %add3A_542 = arith.constant 48 : i32
          %add3A_543 = arith.addi %mul3A_529, %add3A_542 : i32
          %get3A_544 = arith.index_cast %add3A_543 : i32 to index
          %get3A_545 = tpu.vector_load %arg14[%get3A_544] {strides = array<i32>} : memref<2112xi32, #tpu.memory_space<vmem>>, vector<16xi32>,
          %add3A_546 = arith.addi %add3A_541, %get3A_545 : vector<16xi32>
          %add3A_547 = arith.constant 1 : i32
          %add3A_548 = arith.addi %while3A_525, %add3A_547 : i32
          %reduce_sum3A_549 = arith.constant true
          %reduce_sum3A_550 = vector.broadcast %reduce_sum3A_549 : i1 to vector<16xi1>
          %reduce_sum3A_551 = tpu.scan <sum>, %add3A_546 masked %reduce_sum3A_550 : vector<16xi32>, vector<16xi1> -> vector<16xi32>
          %reduce_sum3A_552 = vector.extract %reduce_sum3A_551[15] : i32 from vector<16xi32>
          %add3A_553 = arith.addi %while3A_526, %reduce_sum3A_552 : i32
          scf.yield %add3A_548, %add3A_553, %while3A_526 : i32, i32, i32
        }
        %sub3A_519 = arith.constant 1 : i32
        %sub3A_520 = arith.subi %while3A_518#0, %sub3A_519 : i32
        %mul3A_521 = arith.constant 4 : i32
        %mul3A_522 = arith.muli %sub3A_520, %mul3A_521 : i32
        %while3A_523 = arith.constant 0 : i32
        %while3A_524:3 = scf.while (%while3A_525 = %mul3A_522, %while3A_526 = %while3A_518#2, %while3A_527 = %while3A_523) : (i32, i32, i32) -> (i32, i32, i32) {
          %mul3A_528 = arith.constant 4 : i32
          %mul3A_529 = arith.muli %mul3A_528, %select_n3A_414 : i32
          %lt3A = arith.cmpi slt, %while3A_525, %mul3A_529 : i32
          %lt3A_530 = arith.cmpi slt, %while3A_526, %add3A_514 : i32
          %and3A_531 = arith.andi %lt3A, %lt3A_530 : i1
          scf.condition(%and3A_531) %while3A_525, %while3A_526, %while3A_527 : i32, i32, i32
        } do {
        ^bb0(%while3A_525: i32, %while3A_526: i32, %while3A_527: i32):
          %mul3A_528 = arith.constant 16 : i32
          %mul3A_529 = arith.muli %while3A_525, %mul3A_528 : i32
          %get3A_530 = arith.index_cast %mul3A_529 : i32 to index
          %get3A_531 = tpu.vector_load %arg14[%get3A_530] {strides = array<i32>} : memref<2112xi32, #tpu.memory_space<vmem>>, vector<16xi32>,
          %broadcast_in_dim3A_532 = arith.constant true
          %broadcast_in_dim3A_533 = vector.broadcast %broadcast_in_dim3A_532 : i1 to vector<16xi1>
          %masked_cumsum3A = tpu.scan <sum>, %get3A_531 masked %broadcast_in_dim3A_533 : vector<16xi32>, vector<16xi1> -> vector<16xi32>
          %add3A_534 = vector.broadcast %while3A_526 : i32 to vector<16xi32>
          %add3A_535 = arith.addi %masked_cumsum3A, %add3A_534 : vector<16xi32>
          %eq3A_536 = vector.broadcast %add3A_514 : i32 to vector<16xi32>
          %eq3A_537 = arith.cmpi eq, %add3A_535, %eq3A_536 : vector<16xi32>
          %gt3A_538 = arith.constant 0 : i32
          %gt3A_539 = vector.broadcast %gt3A_538 : i32 to vector<16xi32>
          %gt3A_540 = arith.cmpi sgt, %get3A_531, %gt3A_539 : vector<16xi32>
          %and3A_541 = arith.andi %eq3A_537, %gt3A_540 : vector<16xi1>
          %add3A_542 = vector.broadcast %mul3A_529 : i32 to vector<16xi32>
          %add3A_543 = arith.addi %iota3A, %add3A_542 : vector<16xi32>
          %jit3A_544 = arith.constant 0 : i32
          %broadcast_in_dim3A_545 = vector.broadcast %jit3A_544 : i32 to vector<16xi32>
          %select_n3A_546 = arith.select %and3A_541, %add3A_543, %broadcast_in_dim3A_545 : vector<16xi1>, vector<16xi32>
          %reduce_sum3A_547 = arith.constant true
          %reduce_sum3A_548 = vector.broadcast %reduce_sum3A_547 : i1 to vector<16xi1>
          %reduce_sum3A_549 = tpu.scan <sum>, %select_n3A_546 masked %reduce_sum3A_548 : vector<16xi32>, vector<16xi1> -> vector<16xi32>
          %reduce_sum3A_550 = vector.extract %reduce_sum3A_549[15] : i32 from vector<16xi32>
          %reduce_sum3A_551 = arith.constant true
          %reduce_sum3A_552 = vector.broadcast %reduce_sum3A_551 : i1 to vector<16xi1>
          %reduce_sum3A_553 = tpu.scan <sum>, %get3A_531 masked %reduce_sum3A_552 : vector<16xi32>, vector<16xi1> -> vector<16xi32>
          %reduce_sum3A_554 = vector.extract %reduce_sum3A_553[15] : i32 from vector<16xi32>
          %add3A_555 = arith.constant 1 : i32
          %add3A_556 = arith.addi %while3A_525, %add3A_555 : i32
          %add3A_557 = arith.addi %while3A_526, %reduce_sum3A_554 : i32
          %add3A_558 = arith.addi %while3A_527, %reduce_sum3A_550 : i32
          scf.yield %add3A_556, %add3A_557, %add3A_558 : i32, i32, i32
        }
        scf.yield %while3A_524#2 : i32
      } else {
        %cond3A_458 = arith.constant -1 : i32
        scf.yield %cond3A_458 : i32
      }
      %broadcast_in_dim3A_445 = arith.constant 0 : i32
      %broadcast_in_dim3A_446 = vector.broadcast %broadcast_in_dim3A_445 : i32 to vector<16xi32>
      %add3A_447 = arith.constant 32 : i32
      %add3A_448 = arith.addi %add3A_447, %scan3A_362 : i32
      %add3A_449 = vector.broadcast %add3A_448 : i32 to vector<16xi32>
      %add3A_450 = arith.addi %broadcast_in_dim3A_446, %add3A_449 : vector<16xi32>
      %broadcast_in_dim3A_451 = arith.constant 0 : i32
      %broadcast_in_dim3A_452 = vector.broadcast %broadcast_in_dim3A_451 : i32 to vector<16xi32>
      %add3A_453 = vector.broadcast %cond3A_444 : i32 to vector<16xi32>
      %add3A_454 = arith.addi %broadcast_in_dim3A_452, %add3A_453 : vector<16xi32>
      %eq3A = arith.constant 0 : i32
      %eq3A_455 = vector.broadcast %eq3A : i32 to vector<16xi32>
      %eq3A_456 = arith.cmpi eq, %iota3A, %eq3A_455 : vector<16xi32>
      tpu.vector_store_idx %arg15[%add3A_450], %add3A_454 masked %eq3A_456 : memref<64xi32, #tpu.memory_space<vmem>>[vector<16xi32>], vector<16xi32>, vector<16xi1>
      %scan3A_457 = arith.constant 0 : i32
      scf.yield %scan3A_457 : i32
    }
    %scan3A_211 = arith.constant 32 : i32
    %get3A_212 = arith.constant 32 : index
    %get3A_213 = tpu.vector_load %arg15[%get3A_212] {strides = array<i32>} : memref<64xi32, #tpu.memory_space<vmem>>, vector<16xi32>,
    %ge3A_214 = arith.constant 0 : i32
    %ge3A_215 = vector.broadcast %ge3A_214 : i32 to vector<16xi32>
    %ge3A_216 = arith.cmpi sge, %get3A_213, %ge3A_215 : vector<16xi32>
    %max3A_217 = arith.constant 0 : i32
    %max3A_218 = vector.broadcast %max3A_217 : i32 to vector<16xi32>
    %max3A_219 = arith.maxsi %get3A_213, %max3A_218 : vector<16xi32>
    %gather3A_220 = tpu.vector_load_idx %arg9[%max3A_219] : memref<2048xf32, #tpu.memory_space<vmem>>[vector<16xi32>], vector<16xf32>,
    %gather3A_221 = tpu.vector_load_idx %arg10[%max3A_219] : memref<2048xf32, #tpu.memory_space<vmem>>[vector<16xi32>], vector<16xf32>,
    %gather3A_222 = tpu.vector_load_idx %arg11[%max3A_219] : memref<2048xf32, #tpu.memory_space<vmem>>[vector<16xi32>], vector<16xf32>,
    %add3A_223 = arith.constant 0 : i32
    %add3A_224 = arith.addi %mul3A_204, %add3A_223 : i32
    %get3A_225 = arith.index_cast %add3A_224 : i32 to index
    %get3A_226 = tpu.vector_load %arg9[%get3A_225] {strides = array<i32>} : memref<2048xf32, #tpu.memory_space<vmem>>, vector<16xf32>,
    %add3A_227 = arith.constant 0 : i32
    %add3A_228 = arith.addi %mul3A_204, %add3A_227 : i32
    %get3A_229 = arith.index_cast %add3A_228 : i32 to index
    %get3A_230 = tpu.vector_load %arg10[%get3A_229] {strides = array<i32>} : memref<2048xf32, #tpu.memory_space<vmem>>, vector<16xf32>,
    %add3A_231 = arith.constant 0 : i32
    %add3A_232 = arith.addi %mul3A_204, %add3A_231 : i32
    %get3A_233 = arith.index_cast %add3A_232 : i32 to index
    %get3A_234 = tpu.vector_load %arg11[%get3A_233] {strides = array<i32>} : memref<2048xf32, #tpu.memory_space<vmem>>, vector<16xf32>,
    %sub3A_235 = arith.subf %gather3A_220, %get3A_226 : vector<16xf32>
    %sub3A_236 = arith.subf %gather3A_221, %get3A_230 : vector<16xf32>
    %mul3A_237 = arith.mulf %sub3A_235, %sub3A_235 : vector<16xf32>
    %mul3A_238 = arith.mulf %sub3A_236, %sub3A_236 : vector<16xf32>
    %add3A_239 = arith.addf %mul3A_237, %mul3A_238 : vector<16xf32>
    %add3A_240 = arith.constant 9.99999996E-13 : f32
    %add3A_241 = vector.broadcast %add3A_240 : f32 to vector<16xf32>
    %add3A_242 = arith.addf %add3A_239, %add3A_241 : vector<16xf32>
    %bitcast3A_243 = vector.bitcast %add3A_242 : vector<16xf32> to vector<16xi32>
    %shift_right_logical3A_244 = arith.constant 1 : i32
    %shift_right_logical3A_245 = vector.broadcast %shift_right_logical3A_244 : i32 to vector<16xi32>
    %shift_right_logical3A_246 = arith.shrui %bitcast3A_243, %shift_right_logical3A_245 : vector<16xi32>
    %add3A_247 = arith.constant 532487669 : i32
    %add3A_248 = vector.broadcast %add3A_247 : i32 to vector<16xi32>
    %add3A_249 = arith.addi %shift_right_logical3A_246, %add3A_248 : vector<16xi32>
    %bitcast3A_250 = vector.bitcast %add3A_249 : vector<16xi32> to vector<16xf32>
    %div3A_251 = arith.divf %add3A_242, %bitcast3A_250 : vector<16xf32>
    %add3A_252 = arith.addf %bitcast3A_250, %div3A_251 : vector<16xf32>
    %mul3A_253 = arith.constant 5.000000e-01 : f32
    %mul3A_254 = vector.broadcast %mul3A_253 : f32 to vector<16xf32>
    %mul3A_255 = arith.mulf %mul3A_254, %add3A_252 : vector<16xf32>
    %div3A_256 = arith.divf %add3A_242, %mul3A_255 : vector<16xf32>
    %add3A_257 = arith.addf %mul3A_255, %div3A_256 : vector<16xf32>
    %mul3A_258 = arith.constant 5.000000e-01 : f32
    %mul3A_259 = vector.broadcast %mul3A_258 : f32 to vector<16xf32>
    %mul3A_260 = arith.mulf %mul3A_259, %add3A_257 : vector<16xf32>
    %div3A_261 = arith.divf %add3A_242, %mul3A_260 : vector<16xf32>
    %add3A_262 = arith.addf %mul3A_260, %div3A_261 : vector<16xf32>
    %mul3A_263 = arith.constant 5.000000e-01 : f32
    %mul3A_264 = vector.broadcast %mul3A_263 : f32 to vector<16xf32>
    %mul3A_265 = arith.mulf %mul3A_264, %add3A_262 : vector<16xf32>
    %div3A_266 = arith.divf %add3A_242, %mul3A_265 : vector<16xf32>
    %add3A_267 = arith.addf %mul3A_265, %div3A_266 : vector<16xf32>
    %mul3A_268 = arith.constant 5.000000e-01 : f32
    %mul3A_269 = vector.broadcast %mul3A_268 : f32 to vector<16xf32>
    %mul3A_270 = arith.mulf %mul3A_269, %add3A_267 : vector<16xf32>
    %add3A_271 = arith.addf %get3A_234, %gather3A_222 : vector<16xf32>
    %sub3A_272 = arith.subf %add3A_271, %mul3A_270 : vector<16xf32>
    %div3A_273 = arith.divf %sub3A_235, %mul3A_270 : vector<16xf32>
    %mul3A_274 = arith.mulf %div3A_273, %sub3A_272 : vector<16xf32>
    %jit3A_275 = arith.constant 0.000000e+00 : f32
    %broadcast_in_dim3A_276 = vector.broadcast %jit3A_275 : f32 to vector<16xf32>
    %select_n3A_277 = arith.select %ge3A_216, %mul3A_274, %broadcast_in_dim3A_276 : vector<16xi1>, vector<16xf32>
    %swap3A_278 = arith.constant 32 : index
    %swap3A_279 = tpu.vector_load %arg16[%swap3A_278] {strides = array<i32>} : memref<64xf32, #tpu.memory_space<vmem>>, vector<16xf32>,
    tpu.vector_store %arg16[%swap3A_278], %select_n3A_277 {strides = array<i32>} : memref<64xf32, #tpu.memory_space<vmem>>, vector<16xf32>,
    %div3A_280 = arith.divf %sub3A_236, %mul3A_270 : vector<16xf32>
    %mul3A_281 = arith.mulf %div3A_280, %sub3A_272 : vector<16xf32>
    %jit3A_282 = arith.constant 0.000000e+00 : f32
    %broadcast_in_dim3A_283 = vector.broadcast %jit3A_282 : f32 to vector<16xf32>
    %select_n3A_284 = arith.select %ge3A_216, %mul3A_281, %broadcast_in_dim3A_283 : vector<16xi1>, vector<16xf32>
    %swap3A_285 = arith.constant 32 : index
    %swap3A_286 = tpu.vector_load %arg17[%swap3A_285] {strides = array<i32>} : memref<64xf32, #tpu.memory_space<vmem>>, vector<16xf32>,
    tpu.vector_store %arg17[%swap3A_285], %select_n3A_284 {strides = array<i32>} : memref<64xf32, #tpu.memory_space<vmem>>, vector<16xf32>,
    %get3A_287 = arith.constant 48 : index
    %get3A_288 = tpu.vector_load %arg15[%get3A_287] {strides = array<i32>} : memref<64xi32, #tpu.memory_space<vmem>>, vector<16xi32>,
    %ge3A_289 = arith.constant 0 : i32
    %ge3A_290 = vector.broadcast %ge3A_289 : i32 to vector<16xi32>
    %ge3A_291 = arith.cmpi sge, %get3A_288, %ge3A_290 : vector<16xi32>
    %max3A_292 = arith.constant 0 : i32
    %max3A_293 = vector.broadcast %max3A_292 : i32 to vector<16xi32>
    %max3A_294 = arith.maxsi %get3A_288, %max3A_293 : vector<16xi32>
    %gather3A_295 = tpu.vector_load_idx %arg9[%max3A_294] : memref<2048xf32, #tpu.memory_space<vmem>>[vector<16xi32>], vector<16xf32>,
    %gather3A_296 = tpu.vector_load_idx %arg10[%max3A_294] : memref<2048xf32, #tpu.memory_space<vmem>>[vector<16xi32>], vector<16xf32>,
    %gather3A_297 = tpu.vector_load_idx %arg11[%max3A_294] : memref<2048xf32, #tpu.memory_space<vmem>>[vector<16xi32>], vector<16xf32>,
    %add3A_298 = arith.constant 16 : i32
    %add3A_299 = arith.addi %mul3A_204, %add3A_298 : i32
    %get3A_300 = arith.index_cast %add3A_299 : i32 to index
    %get3A_301 = tpu.vector_load %arg9[%get3A_300] {strides = array<i32>} : memref<2048xf32, #tpu.memory_space<vmem>>, vector<16xf32>,
    %add3A_302 = arith.constant 16 : i32
    %add3A_303 = arith.addi %mul3A_204, %add3A_302 : i32
    %get3A_304 = arith.index_cast %add3A_303 : i32 to index
    %get3A_305 = tpu.vector_load %arg10[%get3A_304] {strides = array<i32>} : memref<2048xf32, #tpu.memory_space<vmem>>, vector<16xf32>,
    %add3A_306 = arith.constant 16 : i32
    %add3A_307 = arith.addi %mul3A_204, %add3A_306 : i32
    %get3A_308 = arith.index_cast %add3A_307 : i32 to index
    %get3A_309 = tpu.vector_load %arg11[%get3A_308] {strides = array<i32>} : memref<2048xf32, #tpu.memory_space<vmem>>, vector<16xf32>,
    %sub3A_310 = arith.subf %gather3A_295, %get3A_301 : vector<16xf32>
    %sub3A_311 = arith.subf %gather3A_296, %get3A_305 : vector<16xf32>
    %mul3A_312 = arith.mulf %sub3A_310, %sub3A_310 : vector<16xf32>
    %mul3A_313 = arith.mulf %sub3A_311, %sub3A_311 : vector<16xf32>
    %add3A_314 = arith.addf %mul3A_312, %mul3A_313 : vector<16xf32>
    %add3A_315 = arith.constant 9.99999996E-13 : f32
    %add3A_316 = vector.broadcast %add3A_315 : f32 to vector<16xf32>
    %add3A_317 = arith.addf %add3A_314, %add3A_316 : vector<16xf32>
    %bitcast3A_318 = vector.bitcast %add3A_317 : vector<16xf32> to vector<16xi32>
    %shift_right_logical3A_319 = arith.constant 1 : i32
    %shift_right_logical3A_320 = vector.broadcast %shift_right_logical3A_319 : i32 to vector<16xi32>
    %shift_right_logical3A_321 = arith.shrui %bitcast3A_318, %shift_right_logical3A_320 : vector<16xi32>
    %add3A_322 = arith.constant 532487669 : i32
    %add3A_323 = vector.broadcast %add3A_322 : i32 to vector<16xi32>
    %add3A_324 = arith.addi %shift_right_logical3A_321, %add3A_323 : vector<16xi32>
    %bitcast3A_325 = vector.bitcast %add3A_324 : vector<16xi32> to vector<16xf32>
    %div3A_326 = arith.divf %add3A_317, %bitcast3A_325 : vector<16xf32>
    %add3A_327 = arith.addf %bitcast3A_325, %div3A_326 : vector<16xf32>
    %mul3A_328 = arith.constant 5.000000e-01 : f32
    %mul3A_329 = vector.broadcast %mul3A_328 : f32 to vector<16xf32>
    %mul3A_330 = arith.mulf %mul3A_329, %add3A_327 : vector<16xf32>
    %div3A_331 = arith.divf %add3A_317, %mul3A_330 : vector<16xf32>
    %add3A_332 = arith.addf %mul3A_330, %div3A_331 : vector<16xf32>
    %mul3A_333 = arith.constant 5.000000e-01 : f32
    %mul3A_334 = vector.broadcast %mul3A_333 : f32 to vector<16xf32>
    %mul3A_335 = arith.mulf %mul3A_334, %add3A_332 : vector<16xf32>
    %div3A_336 = arith.divf %add3A_317, %mul3A_335 : vector<16xf32>
    %add3A_337 = arith.addf %mul3A_335, %div3A_336 : vector<16xf32>
    %mul3A_338 = arith.constant 5.000000e-01 : f32
    %mul3A_339 = vector.broadcast %mul3A_338 : f32 to vector<16xf32>
    %mul3A_340 = arith.mulf %mul3A_339, %add3A_337 : vector<16xf32>
    %div3A_341 = arith.divf %add3A_317, %mul3A_340 : vector<16xf32>
    %add3A_342 = arith.addf %mul3A_340, %div3A_341 : vector<16xf32>
    %mul3A_343 = arith.constant 5.000000e-01 : f32
    %mul3A_344 = vector.broadcast %mul3A_343 : f32 to vector<16xf32>
    %mul3A_345 = arith.mulf %mul3A_344, %add3A_342 : vector<16xf32>
    %add3A_346 = arith.addf %get3A_309, %gather3A_297 : vector<16xf32>
    %sub3A_347 = arith.subf %add3A_346, %mul3A_345 : vector<16xf32>
    %div3A_348 = arith.divf %sub3A_310, %mul3A_345 : vector<16xf32>
    %mul3A_349 = arith.mulf %div3A_348, %sub3A_347 : vector<16xf32>
    %jit3A_350 = arith.constant 0.000000e+00 : f32
    %broadcast_in_dim3A_351 = vector.broadcast %jit3A_350 : f32 to vector<16xf32>
    %select_n3A_352 = arith.select %ge3A_291, %mul3A_349, %broadcast_in_dim3A_351 : vector<16xi1>, vector<16xf32>
    %swap3A_353 = arith.constant 48 : index
    %swap3A_354 = tpu.vector_load %arg16[%swap3A_353] {strides = array<i32>} : memref<64xf32, #tpu.memory_space<vmem>>, vector<16xf32>,
    tpu.vector_store %arg16[%swap3A_353], %select_n3A_352 {strides = array<i32>} : memref<64xf32, #tpu.memory_space<vmem>>, vector<16xf32>,
    %div3A_355 = arith.divf %sub3A_311, %mul3A_345 : vector<16xf32>
    %mul3A_356 = arith.mulf %div3A_355, %sub3A_347 : vector<16xf32>
    %jit3A_357 = arith.constant 0.000000e+00 : f32
    %broadcast_in_dim3A_358 = vector.broadcast %jit3A_357 : f32 to vector<16xf32>
    %select_n3A_359 = arith.select %ge3A_291, %mul3A_356, %broadcast_in_dim3A_358 : vector<16xi1>, vector<16xf32>
    %swap3A_360 = arith.constant 48 : index
    %swap3A_361 = tpu.vector_load %arg17[%swap3A_360] {strides = array<i32>} : memref<64xf32, #tpu.memory_space<vmem>>, vector<16xf32>,
    tpu.vector_store %arg17[%swap3A_360], %select_n3A_359 {strides = array<i32>} : memref<64xf32, #tpu.memory_space<vmem>>, vector<16xf32>,
    "tpu.region"() ({
      %run_scoped3A = tpu.sem_alloc : memref<!tpu.dma_semaphore, #tpu.memory_space<semaphore_mem>>
      %dma_start3A_362 = arith.constant 32 : i32
      %dma_start3A_363 = tpu.memref_slice %arg16[%dma_start3A_362] : memref<64xf32, #tpu.memory_space<vmem>> -> memref<32xf32, #tpu.memory_space<vmem>>
      %dma_start3A_364 = tpu.memref_slice %arg7[%mul3A_204] : memref<2048xf32, #tpu.memory_space<hbm>> -> memref<32xf32, #tpu.memory_space<hbm>>
      %dma_start3A_365 = tpu.memref_slice %arg7[%mul3A_204] : memref<2048xf32, #tpu.memory_space<hbm>> -> memref<32xf32, #tpu.memory_space<hbm>>
      %dma_start3A_366 = arith.constant 32 : i32
      %dma_start3A_367 = tpu.memref_slice %arg16[%dma_start3A_366] : memref<64xf32, #tpu.memory_space<vmem>> -> memref<32xf32, #tpu.memory_space<vmem>>
      tpu.enqueue_dma source(%dma_start3A_367 : memref<32xf32, #tpu.memory_space<vmem>>) target(%dma_start3A_365 : memref<32xf32, #tpu.memory_space<hbm>>) target_semaphore(%run_scoped3A : memref<!tpu.dma_semaphore, #tpu.memory_space<semaphore_mem>>)
      %dma_wait3A_368 = arith.constant 32 : i32
      %dma_wait3A_369 = tpu.memref_slice %arg16[%dma_wait3A_368] : memref<64xf32, #tpu.memory_space<vmem>> -> memref<32xf32, #tpu.memory_space<vmem>>
      %dma_wait3A_370 = tpu.memref_slice %arg7[%mul3A_204] : memref<2048xf32, #tpu.memory_space<hbm>> -> memref<32xf32, #tpu.memory_space<hbm>>
      %dma_wait3A_371 = tpu.memref_slice %arg7[%mul3A_204] : memref<2048xf32, #tpu.memory_space<hbm>> -> memref<32xf32, #tpu.memory_space<hbm>>
      %dma_wait3A_372 = arith.constant 32 : i32
      %dma_wait3A_373 = tpu.memref_slice %arg16[%dma_wait3A_372] : memref<64xf32, #tpu.memory_space<vmem>> -> memref<32xf32, #tpu.memory_space<vmem>>
      tpu.wait_dma2 semaphore(%run_scoped3A : memref<!tpu.dma_semaphore, #tpu.memory_space<semaphore_mem>>) src(%dma_wait3A_373 : memref<32xf32, #tpu.memory_space<vmem>>) dst(%dma_wait3A_371 : memref<32xf32, #tpu.memory_space<hbm>>)
      tpu.yield
    }) : () -> ()
    "tpu.region"() ({
      %run_scoped3A = tpu.sem_alloc : memref<!tpu.dma_semaphore, #tpu.memory_space<semaphore_mem>>
      %dma_start3A_362 = arith.constant 32 : i32
      %dma_start3A_363 = tpu.memref_slice %arg17[%dma_start3A_362] : memref<64xf32, #tpu.memory_space<vmem>> -> memref<32xf32, #tpu.memory_space<vmem>>
      %dma_start3A_364 = tpu.memref_slice %arg8[%mul3A_204] : memref<2048xf32, #tpu.memory_space<hbm>> -> memref<32xf32, #tpu.memory_space<hbm>>
      %dma_start3A_365 = tpu.memref_slice %arg8[%mul3A_204] : memref<2048xf32, #tpu.memory_space<hbm>> -> memref<32xf32, #tpu.memory_space<hbm>>
      %dma_start3A_366 = arith.constant 32 : i32
      %dma_start3A_367 = tpu.memref_slice %arg17[%dma_start3A_366] : memref<64xf32, #tpu.memory_space<vmem>> -> memref<32xf32, #tpu.memory_space<vmem>>
      tpu.enqueue_dma source(%dma_start3A_367 : memref<32xf32, #tpu.memory_space<vmem>>) target(%dma_start3A_365 : memref<32xf32, #tpu.memory_space<hbm>>) target_semaphore(%run_scoped3A : memref<!tpu.dma_semaphore, #tpu.memory_space<semaphore_mem>>)
      %dma_wait3A_368 = arith.constant 32 : i32
      %dma_wait3A_369 = tpu.memref_slice %arg17[%dma_wait3A_368] : memref<64xf32, #tpu.memory_space<vmem>> -> memref<32xf32, #tpu.memory_space<vmem>>
      %dma_wait3A_370 = tpu.memref_slice %arg8[%mul3A_204] : memref<2048xf32, #tpu.memory_space<hbm>> -> memref<32xf32, #tpu.memory_space<hbm>>
      %dma_wait3A_371 = tpu.memref_slice %arg8[%mul3A_204] : memref<2048xf32, #tpu.memory_space<hbm>> -> memref<32xf32, #tpu.memory_space<hbm>>
      %dma_wait3A_372 = arith.constant 32 : i32
      %dma_wait3A_373 = tpu.memref_slice %arg17[%dma_wait3A_372] : memref<64xf32, #tpu.memory_space<vmem>> -> memref<32xf32, #tpu.memory_space<vmem>>
      tpu.wait_dma2 semaphore(%run_scoped3A : memref<!tpu.dma_semaphore, #tpu.memory_space<semaphore_mem>>) src(%dma_wait3A_373 : memref<32xf32, #tpu.memory_space<vmem>>) dst(%dma_wait3A_371 : memref<32xf32, #tpu.memory_space<hbm>>)
      tpu.yield
    }) : () -> ()
    return
  }
}

</mosaic_0001>

<sc_bundles>
// kernel: kernel.3.cloned.1.call-start
scs
__scs_entry_jumppad:
0x0: {  	(pc) =	sbr.rel $0x88, $3  }
0x1: {  	(tag) =	ssettag $0x0;
	lr =	simm.s32 $0x1  }
0x2: {  	[smem:$0x3F9F] =	sst lr;
	_ =	strace $0xD0000000  }
0x3: {  	_ = 	snop  }
0x4: {  	_ = 	snop  }
0x5: {  	_ = 	snop  }
0x6: {  	_ = 	snop  }
0x7: {  	_ = 	snop  }
__scs_overlays_trampoline_lowered:
0x8: {  	[smem:$0x3FAE] =	sst s0  }
0x9: {  	[smem:$0x3FAF] =	sst s1  }
0xa: {  	[smem:$0x3FB0] =	sst s2  }
0xb: {  	[smem:$0x3FB1] =	sst s3  }
0xc: {  	[smem:$0x3FB2] =	sst s4  }
0xd: {  	[smem:$0x3FB3] =	sst s5  }
0xe: {  	[smem:$0x3FB4] =	sst s6  }
0xf: {  	[smem:$0x3FB5] =	sst s7  }
0x10: {  	[smem:$0x3FB6] =	sst s8  }
0x11: {  	[smem:$0x3FB7] =	sst s9;
	s0 =	simm.s32 @!p0 $0x0  }
0x12: {  	s1 =	sld [smem:$0x3F9D];
	s0 =	simm.s32 @p0 $0x1  }
0x13: {  	[smem:$0x3FB8] =	sst s0;
	s0 =	simm.s32 @!p1 $0x0  }
0x14: {  	s2 =	sld [smem:$0x3F9C];
	s0 =	simm.s32 @p1 $0x1  }
0x15: {  	[smem:$0x3FB9] =	sst s0;
	s0 =	simm.s32 @!p2 $0x0  }
0x16: {  	s3 =	sld [smem:$0x3FDB];
	s0 =	simm.s32 @p2 $0x1  }
0x17: {  	s4 =	simm.s32 $0x1BF5;
	[smem:$0x3FBB] =	sst s0  }
0x18: {  	s0 =	sld [smem:$0x3F9E];
	_ =	swait.ge [sflag:s4], $0x0  }
0x19: {  	s7 =	sld [smem:$0x3F9F]  }
0x1a: {  	s8 =	sadd.s32 $0xFFFFE003, lr  }
0x1b: {  	s9 =	sadd.s32 $0xFFFFFEF7, lr;
	s5 =	simm.s32 $0xFFFFFFFF;
	p2 =	slt.u32 s8, $0xFFFFF086  }
0x1c: {  	p1 =	slt.u32 s9, $0xF7A;
	s5 =	simm.s32 @!p2 $0x0  }
0x1d: {  	s5 =	simm.s32 @p1 $0x1;
	p0 =	seq.s32 s7, s2  }
0x1e: {  	s7 =	smul.u32 @!p0 $0xF7A, s2;
	p2 =	seq.s32 @!p0 s5, $0x0  }
0x1f: {  	s9 =	smul.u32 $0xF7A, s1;
	s8 =	simm.s32 @!p0 $0x1BF5;
	p2 =	por !p2, p0  }
0x20: {  	[sflag:s8] =	ssyncset.s32 @!p0 $0xFFFFF086;
	s6 =	sadd.s32 @!p0 s3, s7;
	s7 =	simm.s32 @!p0 $0x108  }
0x21: {  	s3 =	sadd.s32 s3, s9;
	s6 =	sadd.s32 @!p0 $0x88, s6;
	s7 =	simm.s32 @p2 $0x1082  }
0x22: {  	[simem:s7], [sflag:s8] =	dma.local @!p0 [hbm:s6], $0xF7A  }
0x23: {  	s9 =	sor.u32 $0xD0000000, s2;
	s6 =	simm.s32 $0x108;
	_ =	swait.ge @!p0 [sflag:s8], $0x0  }
0x24: {  	s3 =	sadd.s32 $0x88, s3;
	s6 =	simm.s32 @!p1 $0x1082;
	[sflag:s4] =	ssyncset.s32 $0xFFFFF086  }
0x25: {  	[simem:s6], [sflag:s4] =	dma.local [hbm:s3], $0xF7A  }
0x26: {  	[smem:$0x3F9F] =	sst s1;
	(tag) =	ssettag s2;
	_ =	strace s9  }
0x27: {  	s1 =	sld [smem:$0x3FAF]  }
0x28: {  	s2 =	sld [smem:$0x3FB0]  }
0x29: {  	s4 =	sld [smem:$0x3FB2]  }
0x2a: {  	p0 =	seq.s32 s5, $0x0;
	s5 =	sld [smem:$0x3FB3]  }
0x2b: {  	s6 =	sld [smem:$0x3FB4]  }
0x2c: {  	s7 =	sld [smem:$0x3FB5]  }
0x2d: {  	s3 =	simm.s32 $0x108;
	s8 =	sld [smem:$0x3FB6]  }
0x2e: {  	s3 =	simm.s32 @!p0 $0x1082;
	s9 =	sld [smem:$0x3FB7]  }
0x2f: {  	lr =	sadd.s32 s0, s3;
	s0 =	sld [smem:$0x3FAE]  }
0x30: {  	s3 =	sld [smem:$0x3FB1]  }
0x31: {  	[smem:$0x3FBA] =	sst s10  }
0x32: {  	s10 =	sld [smem:$0x3FB8];
	_ =	sdelay $0x3  }
0x33: {  	p0 =	seq.s32 s10, $0x1;
	s10 =	sld [smem:$0x3FBA];
	_ =	sdelay $0x3  }
0x34: {  	[smem:$0x3FBA] =	sst s10  }
0x35: {  	s10 =	sld [smem:$0x3FB9];
	_ =	sdelay $0x3  }
0x36: {  	p1 =	seq.s32 s10, $0x1;
	s10 =	sld [smem:$0x3FBA];
	_ =	sdelay $0x3  }
0x37: {  	[smem:$0x3FBA] =	sst s10  }
0x38: {  	s10 =	sld [smem:$0x3FBB]  }
0x39: {  	_ = 	snop;
	(pc) =	sbr.ind lr, $3  }
0x3a: {  	_ = 	snop  }
0x3b: {  	_ = 	snop  }
0x3c: {  	p2 =	seq.s32 s10, $0x1;
	s10 =	sld [smem:$0x3FBA]  }
0x3d: {  	_ =	shalt  }
0x3e: {  	_ =	shalt  }
0x3f: {  	_ =	shalt  }
0x40: {  	_ =	shalt  }
0x41: {  	_ =	shalt  }
0x42: {  	_ =	shalt  }
0x43: {  	_ =	shalt  }
0x44: {  	_ =	shalt  }
0x45: {  	_ =	shalt  }
0x46: {  	_ =	shalt  }
0x47: {  	_ =	shalt  }
0x48: {  	_ =	shalt  }
0x49: {  	_ =	shalt  }
0x4a: {  	_ =	shalt  }
0x4b: {  	_ =	shalt  }
0x4c: {  	_ =	shalt  }
0x4d: {  	_ =	shalt  }
0x4e: {  	_ =	shalt  }
0x4f: {  	_ =	shalt  }
0x50: {  	_ =	shalt  }
0x51: {  	_ =	shalt  }
0x52: {  	_ =	shalt  }
0x53: {  	_ =	shalt  }
0x54: {  	_ =	shalt  }
0x55: {  	_ =	shalt  }
0x56: {  	_ =	shalt  }
0x57: {  	_ =	shalt  }
0x58: {  	_ =	shalt  }
0x59: {  	_ =	shalt  }
0x5a: {  	_ =	shalt  }
0x5b: {  	_ =	shalt  }
0x5c: {  	_ =	shalt  }
0x5d: {  	_ =	shalt  }
0x5e: {  	_ =	shalt  }
0x5f: {  	_ =	shalt  }
0x60: {  	_ =	shalt  }
0x61: {  	_ =	shalt  }
0x62: {  	_ =	shalt  }
0x63: {  	_ =	shalt  }
0x64: {  	_ =	shalt  }
0x65: {  	_ =	shalt  }
0x66: {  	_ =	shalt  }
0x67: {  	_ =	shalt  }
0x68: {  	_ =	shalt  }
0x69: {  	_ =	shalt  }
0x6a: {  	_ =	shalt  }
0x6b: {  	_ =	shalt  }
0x6c: {  	_ =	shalt  }
0x6d: {  	_ =	shalt  }
0x6e: {  	_ =	shalt  }
0x6f: {  	_ =	shalt  }
0x70: {  	_ =	shalt  }
0x71: {  	_ =	shalt  }
0x72: {  	_ =	shalt  }
0x73: {  	_ =	shalt  }
0x74: {  	_ =	shalt  }
0x75: {  	_ =	shalt  }
0x76: {  	_ =	shalt  }
0x77: {  	_ =	shalt  }
0x78: {  	_ =	shalt  }
0x79: {  	_ =	shalt  }
0x7a: {  	_ =	shalt  }
0x7b: {  	_ =	shalt  }
0x7c: {  	_ =	shalt  }
0x7d: {  	_ =	shalt  }
0x7e: {  	_ =	shalt  }
0x7f: {  	_ =	shalt  }
0x80: {  	_ =	shalt  }
0x81: {  	_ =	shalt  }
0x82: {  	_ =	shalt  }
0x83: {  	_ =	shalt  }
0x84: {  	_ =	shalt  }
0x85: {  	_ =	shalt  }
0x86: {  	_ =	shalt  }
0x87: {  	_ =	shalt  }
.Lfunc_end0:
.L_simem_size_0:
called_computation_lowered:
.L_overlay_start_0:
0x88: {  	s2 =	sld [smem:$0x3FD9]  }
0x89: {  	s3 =	sld [smem:$0x3FFE];
	_ =	sdelay $0x1  }
0x8a: {  	s1 =	srdreg.scid  }
0x8b: {  	s0 =	sand.u32 $0x1, s1  }
0x8c: {  	s17 =	sshll.u32 s0, $0xA;
	s2 =	sadd.s32 s3, s2  }
0x8d: {  	s2 =	sadd.s32 s2, s17  }
0x8e: {  	[smem:$0x3FC6] =	sst s2  }
0x8f: {  	_ = 	snop  }
0x90: {  	s2 =	sld [smem:$0x3FC8]  }
0x91: {  	s18 =	sld [smem:$0x3FD0];
	(tm) =	ssettm $0x1  }
0x92: {  	s4 =	sld [smem:$0x3FFB];
	_ =	sdelay $0x3  }
0x93: {  	_ =	strace s4  }
0x94: {  	s4 =	sld [smem:$0x3FFC];
	_ =	sdelay $0x3  }
0x95: {  	_ =	strace s4  }
0x96: {  	s4 =	sld [smem:$0x3FFD];
	_ =	sdelay $0x3  }
0x97: {  	_ =	strace s4  }
0x98: {  	_ =	strace $0x8FFFFFFF  }
0x99: {  	s19 =	sld [smem:$0x3FDB];
	_ =	sdelay $0x1  }
0x9a: {  	s5 =	simm.s32 $_scs_section_size  }
0x9b: {  	s6 =	simm.s32 $_size__tile_overlayer_lowered;
	s7 =	simm.s32 $_tile_overlayer_lowered  }
0x9c: {  	s22 =	simm.s32 $0x1BFF;
	s21 =	sshll.u32 s7, $0x1;
	s4 =	sadd.s32 s5, s19  }
0x9d: {  	s8 =	simm.s32 $0x0;
	s20 =	sshll.u32 s6, $0x1;
	s6 =	sadd.s32 s21, s4  }
0x9e: {  	[timem:s8], [sflag:s22] =	dma.local [hbm:s6], s20  }
0x9f: {  	_ =	swait.ge [sflag:s22], s20  }
0xa0: {  	s5 =	ssub.s32 $0x0, s20;
	[sflag:s22] =	ssyncset.done $0x0  }
0xa1: {  	[sflag:s22] =	ssyncadd.s32 s5;
	_ =	sdelay $0x1  }
0xa2: {  	s23 =	simm.s32 $0x1B8B  }
0xa3: {  	_ =	swait.ge [sflag:s23], $0x1  }
0xa4: {  	[sflag:s23] =	ssyncset.done $0x0  }
0xa5: {  	s25 =	simm.s32 $0x1B8E;
	s24 =	sld [smem:$0x3FFE];
	[sflag:s23] =	ssyncadd.s32 $0xFFFFFFFF  }
0xa6: {  	s26 =	simm.s32 $execute0_lowered;
	[smem:$0x3FD2] =	sst s25  }
0xa7: {  	s6 =	sshll.u32 s26, $0x1;
	_ =	strace $0x80000046;
	[dreg:$0x1] =	wrdreg $0xFFFFFFFF  }
0xa8: {  	s28 =	simm.s32 $_size_execute0_lowered;
	s4 =	sadd.s32 s4, s6;
	[dreg:$0x0] =	wrdreg $0x0  }
0xa9: {  	s6 =	sshll.u32 s28, $0x1;
	[dreg:$0x2] =	wrdreg s4  }
0xaa: {  	[dreg:$0x3] =	wrdreg s6  }
0xab: {  	[dreg:$0x4] =	wrdreg $0xC0  }
0xac: {  	_ =	task [dreg:s8], $0x5FFFF  }
0xad: {  	[dreg:$0x1] =	wrdreg $0xFFFFFFFF  }
0xae: {  	[dreg:$0x0] =	wrdreg $0x60  }
0xaf: {  	[dreg:$0x2] =	wrdreg s24  }
0xb0: {  	[dreg:$0x3] =	wrdreg s18  }
0xb1: {  	[dreg:$0x4] =	wrdreg s2  }
0xb2: {  	[dreg:$0x5] =	wrdreg $0x9  }
0xb3: {  	_ =	task.clear_ibuf [dreg:s8], $0x6FFFF;
	_ =	strace $0x90000046  }
0xb4: {  	s29 =	simm.s32 $0x9;
	_ =	strace $0x80000048  }
0xb5: {  	_ =	swait.ge [sflag:s29], $0x1  }
0xb6: {  	[sflag:s29] =	ssyncadd.s32 $0xFFFFFFFF  }
0xb7: {  	_ =	strace $0x90000048  }
0xb8: {  	_ =	sfence  }
0xb9: {  	s30 =	sld [smem:$0x0];
	_ =	sdelay $0x2  }
0xba: {  	s31 =	sshll.u32 s1, $0xD;
	s1 =	sshrl.u32 s1, $0x2  }
0xbb: {  	s3 =	sand.u32 $0x4000, s31;
	s1 =	sadd.s32 s1, s30  }
0xbc: {  	s0 =	sor.u32 s3, s0;
	s1 =	sshll.u32 s1, $0x11  }
0xbd: {  	s0 =	sor.u32 s1, s0  }
0xbe: {  	s0 =	sadd.s32 $0x8F2B, s0  }
0xbf: {  	[sflag:s0] =	ssyncadd.remote.s32 $0x1  }
0xc0: {  	_ =	sfence.sel $0xFFFF  }
0xc1: {  	[dreg:$0x0] =	wrdreg $0xFFFFFFFF;
	(pc) =	sbr.abs _section_cstart, $3  }
0xc2: {  	[dreg:$0x1] =	wrdreg $0xFFFFFFFF  }
0xc3: {  	_ =	task.clear_ibuf [dreg:s8], $0x2FFFF;
	_ =	strace $0x9FFFFFFF  }
0xc4: {  	(tm) =	ssettm $0x7FFFFFFF  }
0xc5: {  	_ =	shalt  }
tec
execute0_lowered:
.L_overlay_start_1:
0x0: {  	(tag) =	ssettag $0x1  }
0x1: {  	s0 =	rddreg [dreg:$0x0]  }
0x2: {  	s3 =	simm.s32 $0x0;
	s4 =	srdreg.scid;
	s11 =	stileid.u32  }
0x3: {  	s28 =	simm.s32 $0x1;
	s29 =	simm.s32 $0x3100;
	s31 =	simm.s32 $0x2  }
0x4: {  	[smem:$0x7FF] =	sst s3;
	s1 =	sadd.s32 $0xC00, s0;
	s19 =	sadd.s32 $0xE00, s0  }
0x5: {  	s2 =	sadd.s32 $0x1000, s0;
	s5 =	sadd.s32 $0x5000, s0;
	s4 =	sand.u32 $0x1, s4  }
0x6: {  	s6 =	sshll.u32 s11, $0x1;
	s0 =	sadd.s32 $0x5200, s0;
	s26 =	sshll.u32 s11, $0x6  }
0x7: {  	_ =	strace $0x80000047;
	[dreg:$0x4] =	wrdreg s1;
	s7 =	ssub.s32 $0x2, s4  }
0x8: {  	s6 =	sor.u32 s4, s6;
	s30 =	sshll.u32 s4, $0x5;
	s8 =	sshrl.u32 s7, $0x1  }
0x9: {  	s9 =	sxor.u32 $0x3F, s6;
	s10 =	sshll.u32 s6, $0x8;
	s22 =	sshll.u32 s6, $0x2  }
0xa: {  	s7 =	ssub.s32 s7, s8;
	s20 =	sadd.s32 s2, s10;
	s21 =	sshll.u32 s9, $0x8  }
0xb: {  	s8 =	sshll.u32 s6, $0x5;
	s6 =	sadd.s32 s19, s22;
	s10 =	sshll.u32 s9, $0x5  }
0xc: {  	s23 =	sshll.u32 s9, $0x2;
	s24 =	sadd.s32 s5, s22;
	[dreg:$0x5] =	wrdreg s20  }
0xd: {  	s25 =	sadd.s32 s0, s22;
	s22 =	simm.s32 $0x1000;
	[dreg:$0x7] =	wrdreg s6  }
0xe: {  	s2 =	sadd.s32 s2, s21;
	s1 =	sadd.s32 s19, s23;
	[dreg:$0x9] =	wrdreg s24  }
.Ltmp0:
0xf: {  	s12 =	sor.u32 $0x10, s8;
	[dreg:$0xa] =	wrdreg s25;
	(pc) =	sbr.rel .LBB2_1-.Ltmp0, $4  }
0x10: {  	s15 =	sor.u32 $0x10, s10;
	s16 =	sadd.s32 s5, s23;
	s17 =	sadd.s32 s0, s23  }
0x11: {  	s19 =	sor.u32 $0xF, s10;
	s20 =	smax.u32 s7, $0x1;
	s21 =	simm.s32 $0x800  }
0x12: {  	s25 =	simm.s32 $0x1800;
	[dreg:$0x8] =	wrdreg s1;
	s1 =	sor.u32 s30, s26  }
0x13: {  	v0 =	vimm.s32 $0x0;
	v1 =	vlaneseq.u32;
	[dreg:$0x6] =	wrdreg s2;
	s2 =	simm.s32 $0x0;
	s18 =	sor.u32 $0xF, s1  }
.LBB2_45:
0x14: {  	v2 =	vld [tilespmem:$0x3120];
	_ =	sdelay $0x4  }
0x15: {  	vm0 =	vgt.s32 v2, $0x0  }
0x16: {  	v3 =	vnsel vm0, $0x0, v2;
	_ =	sdelay $0x2  }
0x17: {  	v6 =	vld [tilespmem:s10+$0x0]  }
0x18: {  	v7 =	vld [tilespmem:s10+$0x800]  }
0x19: {  	v4 =	vld.idx.msk [tilespmem:v3+s3+$0x0], $0xffff  }
0x1a: {  	v5 =	vld.idx.msk [tilespmem:v3+s21+$0x0], $0xffff;
	_ =	sdelay $0x4  }
0x1b: {  	v4 =	vsub.f32 v4, v6;
	v5 =	vsub.f32 v5, v7;
	_ =	sdelay $0x1  }
0x1c: {  	v6 =	vmul.f32 v4, v4;
	v7 =	vmul.f32 v5, v5;
	_ =	sdelay $0x1  }
0x1d: {  	v6 =	vadd.f32 v7, v6;
	_ =	sdelay $0x1  }
0x1e: {  	v6 =	vadd.f32 $9.999999960e-13, v6;
	_ =	sdelay $0x1  }
0x1f: {  	v46 =	vshrl.u32 v6, $0x1  }
0x20: {  	v7 =	vadd.s32 $0x1FBD1DF5, v46  }
0x21: {  	(erf) = vrcp.f32 v7;
	_ =	sdelay $0x8  }
0x22: {  	v8 =	vpop (erf)  }
0x23: {  	v8 =	vmul.f32 v8, v6;
	_ =	sdelay $0x1  }
0x24: {  	v7 =	vadd.f32 v7, v8;
	_ =	sdelay $0x1  }
0x25: {  	v7 =	vmul.f32 $5.000000000e-01, v7;
	_ =	sdelay $0x1  }
0x26: {  	(erf) = vrcp.f32 v7;
	_ =	sdelay $0x8  }
0x27: {  	v47 =	vpop (erf)  }
0x28: {  	v8 =	vmul.f32 v47, v6;
	_ =	sdelay $0x1  }
0x29: {  	v7 =	vadd.f32 v8, v7;
	_ =	sdelay $0x1  }
0x2a: {  	v7 =	vmul.f32 $5.000000000e-01, v7;
	_ =	sdelay $0x1  }
0x2b: {  	(erf) = vrcp.f32 v7;
	_ =	sdelay $0x8  }
0x2c: {  	v48 =	vpop (erf)  }
0x2d: {  	v8 =	vmul.f32 v48, v6;
	_ =	sdelay $0x1  }
0x2e: {  	v7 =	vadd.f32 v8, v7;
	_ =	sdelay $0x1  }
0x2f: {  	v7 =	vmul.f32 $5.000000000e-01, v7;
	_ =	sdelay $0x1  }
0x30: {  	(erf) = vrcp.f32 v7;
	_ =	sdelay $0x8  }
0x31: {  	v49 =	vpop (erf)  }
0x32: {  	v6 =	vmul.f32 v49, v6;
	_ =	sdelay $0x1  }
0x33: {  	v6 =	vadd.f32 v6, v7;
	_ =	sdelay $0x1  }
0x34: {  	v6 =	vmul.f32 $5.000000000e-01, v6;
	_ =	sdelay $0x1  }
0x35: {  	(erf) = vrcp.f32 v6;
	_ =	sdelay $0x1  }
0x36: {  	v50 =	vld [tilespmem:s10+$0x1000]  }
0x37: {  	v3 =	vld.idx.msk [tilespmem:v3+s22+$0x0], $0xffff;
	_ =	sdelay $0x2  }
0x38: {  	v51 =	vld [tilespmem:$0x3130];
	_ =	sdelay $0x1  }
0x39: {  	v3 =	vadd.f32 v50, v3  }
0x3a: {  	v52 =	vpop (erf)  }
0x3b: {  	v3 =	vsub.f32 v3, v6;
	v4 =	vmul.f32 v52, v4  }
0x3c: {  	vm13 =	vgt.s32 v51, $0x0;
	v5 =	vmul.f32 v52, v5  }
0x3d: {  	v53 =	vnsel vm13, $0x0, v51;
	v4 =	vmul.f32 v4, v3  }
0x3e: {  	vm14 =	vgt.s32 v2, $0xFFFFFFFF;
	v2 =	vmul.f32 v5, v3  }
0x3f: {  	v3 =	vnsel vm14, $0x0, v4  }
0x40: {  	v2 =	vnsel vm14, $0x0, v2;
	[tilespmem:$0x31A0] =	vst v3  }
0x41: {  	[tilespmem:$0x3220] =	vst v2  }
0x42: {  	v2 =	vld.idx.msk [tilespmem:v53+s3+$0x0], $0xffff  }
0x43: {  	v3 =	vld.idx.msk [tilespmem:v53+s21+$0x0], $0xffff  }
0x44: {  	v54 =	vld [tilespmem:s15+$0x0]  }
0x45: {  	v55 =	vld [tilespmem:s15+$0x800];
	_ =	sdelay $0x4  }
0x46: {  	v2 =	vsub.f32 v2, v54;
	v3 =	vsub.f32 v3, v55;
	_ =	sdelay $0x1  }
0x47: {  	v4 =	vmul.f32 v2, v2;
	v5 =	vmul.f32 v3, v3;
	_ =	sdelay $0x1  }
0x48: {  	v4 =	vadd.f32 v5, v4;
	_ =	sdelay $0x1  }
0x49: {  	v4 =	vadd.f32 $9.999999960e-13, v4;
	_ =	sdelay $0x1  }
0x4a: {  	v56 =	vshrl.u32 v4, $0x1  }
0x4b: {  	v5 =	vadd.s32 $0x1FBD1DF5, v56  }
0x4c: {  	(erf) = vrcp.f32 v5;
	_ =	sdelay $0x8  }
0x4d: {  	v57 =	vpop (erf)  }
0x4e: {  	v7 =	vmul.f32 v57, v4;
	_ =	sdelay $0x1  }
0x4f: {  	v5 =	vadd.f32 v5, v7;
	_ =	sdelay $0x1  }
0x50: {  	v5 =	vmul.f32 $5.000000000e-01, v5;
	_ =	sdelay $0x1  }
0x51: {  	(erf) = vrcp.f32 v5;
	_ =	sdelay $0x8  }
0x52: {  	v58 =	vpop (erf)  }
0x53: {  	v7 =	vmul.f32 v58, v4;
	_ =	sdelay $0x1  }
0x54: {  	v5 =	vadd.f32 v7, v5;
	_ =	sdelay $0x1  }
0x55: {  	v5 =	vmul.f32 $5.000000000e-01, v5;
	_ =	sdelay $0x1  }
0x56: {  	(erf) = vrcp.f32 v5;
	_ =	sdelay $0x8  }
0x57: {  	v59 =	vpop (erf)  }
0x58: {  	v7 =	vmul.f32 v59, v4;
	_ =	sdelay $0x1  }
0x59: {  	v5 =	vadd.f32 v7, v5;
	_ =	sdelay $0x1  }
0x5a: {  	v5 =	vmul.f32 $5.000000000e-01, v5;
	_ =	sdelay $0x1  }
0x5b: {  	(erf) = vrcp.f32 v5;
	_ =	sdelay $0x8  }
0x5c: {  	v60 =	vpop (erf)  }
0x5d: {  	v4 =	vmul.f32 v60, v4;
	_ =	sdelay $0x1  }
0x5e: {  	v4 =	vadd.f32 v4, v5;
	_ =	sdelay $0x1  }
0x5f: {  	v4 =	vmul.f32 $5.000000000e-01, v4;
	_ =	sdelay $0x1  }
0x60: {  	(erf) = vrcp.f32 v4;
	_ =	sdelay $0x1  }
0x61: {  	v61 =	vld.idx.msk [tilespmem:v53+s22+$0x0], $0xffff  }
0x62: {  	v62 =	vld [tilespmem:s15+$0x1000];
	_ =	sdelay $0x4  }
0x63: {  	v5 =	vadd.f32 v62, v61  }
0x64: {  	v63 =	vpop (erf)  }
0x65: {  	v4 =	vsub.f32 v5, v4;
	v2 =	vmul.f32 v63, v2  }
0x66: {  	v3 =	vmul.f32 v63, v3  }
0x67: {  	v2 =	vmul.f32 v2, v4  }
0x68: {  	vm15 =	vgt.s32 v51, $0xFFFFFFFF;
	v3 =	vmul.f32 v3, v4  }
0x69: {  	v2 =	vnsel vm15, $0x0, v2  }
0x6a: {  	[tilespmem:$0x31B0] =	vst v2;
	v2 =	vnsel vm15, $0x0, v3  }
0x6b: {  	s0 =	simm.s32 $0x31A0;
	[tilespmem:$0x3230] =	vst v2  }
0x6c: {  	[hbm4b:s16+s3] =	stream.linear.scatter [tilespmem:s0], [sflag:$0x2], $0x20, $0x38;
	[tilespmem:$0x3280] =	vst v63  }
0x6d: {  	s2 =	sadd.s32 $0x1, s2;
	_ =	swait.ge [sflag:s31], $0x20  }
0x6e: {  	p0 =	sne.s32 s2, s20;
	[sflag:s31] =	ssyncset.done $0x0  }
.Ltmp1:
0x6f: {  	s30 =	simm.s32 $0x3220;
	[sflag:s31] =	ssyncadd.s32 $0xFFFFFFE0;
	(pc) =	sbr.rel @!p0 .LBB2_46-.Ltmp1, $4  }
0x70: {  	[hbm4b:s17+s3] =	stream.linear.scatter [tilespmem:s30], [sflag:$0x2], $0x20, $0x38;
	[tilespmem:$0x3280] =	vst v63  }
0x71: {  	_ =	swait.ge [sflag:s31], $0x20  }
0x72: {  	[sflag:s31] =	ssyncset.done $0x0  }
0x73: {  	[sflag:s31] =	ssyncadd.s32 $0xFFFFFFE0  }
.LBB2_1:
0x74: {  	s0 =	rddreg [dreg:$0x4]  }
0x75: {  	[tilespmem:s3], [sflag:$0x1] =	stream.linear.gather [hbm4b:s0+s3], $0x800, $0x38;
	[tilespmem:$0x3280] =	vst v63  }
0x76: {  	s9 =	rddreg [dreg:$0x1]  }
0x77: {  	[tilespmem:s21], [sflag:$0x1] =	stream.linear.gather [hbm4b:s9+s3], $0x800, $0x38;
	[tilespmem:$0x3280] =	vst v63  }
0x78: {  	s11 =	rddreg [dreg:$0x2]  }
0x79: {  	[tilespmem:s22], [sflag:$0x1] =	stream.linear.gather [hbm4b:s11+s3], $0x800, $0x38;
	[tilespmem:$0x3280] =	vst v63  }
0x7a: {  	s13 =	rddreg [dreg:$0x5];
	s1 =	simm.s32 $0x1880  }
0x7b: {  	[tilespmem:s1], [sflag:$0x1] =	stream.linear.gather [hbm4b:s13+s3], $0x800, $0x38;
	[tilespmem:$0x3280] =	vst v63  }
0x7c: {  	s14 =	rddreg [dreg:$0x6];
	s23 =	simm.s32 $0x2080  }
0x7d: {  	[tilespmem:s23], [sflag:$0x1] =	stream.linear.gather [hbm4b:s14+s3], $0x800, $0x38;
	[tilespmem:$0x3280] =	vst v63  }
0x7e: {  	s24 =	rddreg [dreg:$0x7]  }
0x7f: {  	[tilespmem:s25], [sflag:$0x1] =	stream.linear.gather [hbm4b:s24+s3], $0x20, $0x38;
	[tilespmem:$0x3280] =	vst v63  }
0x80: {  	s26 =	rddreg [dreg:$0x8];
	s30 =	simm.s32 $0x1820  }
0x81: {  	[tilespmem:s30], [sflag:$0x1] =	stream.linear.gather [hbm4b:s26+s3], $0x20, $0x38;
	[tilespmem:$0x3280] =	vst v63  }
0x82: {  	_ =	swait.ge [sflag:s28], $0x800  }
0x83: {  	[sflag:s28] =	ssyncset.done $0x0  }
0x84: {  	[sflag:s28] =	ssyncadd.s32 $0xFFFFF800  }
0x85: {  	_ =	swait.ge [sflag:s28], $0x800  }
0x86: {  	[sflag:s28] =	ssyncset.done $0x0  }
0x87: {  	[sflag:s28] =	ssyncadd.s32 $0xFFFFF800  }
0x88: {  	_ =	swait.ge [sflag:s28], $0x800  }
0x89: {  	[sflag:s28] =	ssyncset.done $0x0  }
0x8a: {  	[sflag:s28] =	ssyncadd.s32 $0xFFFFF800  }
0x8b: {  	_ =	swait.ge [sflag:s28], $0x800  }
0x8c: {  	[sflag:s28] =	ssyncset.done $0x0  }
0x8d: {  	[sflag:s28] =	ssyncadd.s32 $0xFFFFF800  }
0x8e: {  	_ =	swait.ge [sflag:s28], $0x800  }
0x8f: {  	[sflag:s28] =	ssyncset.done $0x0  }
0x90: {  	[sflag:s28] =	ssyncadd.s32 $0xFFFFF800  }
0x91: {  	_ =	swait.ge [sflag:s28], $0x20  }
.Ltmp2:
0x92: {  	[sflag:s28] =	ssyncset.done $0x0;
	(pc) =	sbr.rel .LBB2_2-.Ltmp2, $4  }
0x93: {  	[sflag:s28] =	ssyncadd.s32 $0xFFFFFFE0  }
0x94: {  	_ =	swait.ge [sflag:s28], $0x20  }
0x95: {  	[sflag:s28] =	ssyncset.done $0x0  }
0x96: {  	s23 =	smov.u32 s18;
	s24 =	simm.s32 $0x0;
	[sflag:s28] =	ssyncadd.s32 $0xFFFFFFE0  }
.LBB2_7:
0x97: {  	v2 =	vmov s24;
	s4 =	simm.s32 $0xFFFFFFFF  }
.LBB2_23:
0x98: {  	s24 =	sadd.s32 $0x1, s24  }
0x99: {  	p0 =	sne.s32 s24, $0x20  }
.Ltmp3:
0x9a: {  	_ = 	snop;
	(pc) =	sbr.rel @!p0 .LBB2_24-.Ltmp3, $3  }
0x9b: {  	_ =	sdelay $0x1  }
0x9c: {  	v3 =	vmov s4  }
0x9d: {  	s23 =	sadd.s32 $0x1, s23;
	[tilespmem:v2+s29+$0x0] =	vst.idx.msk $0x1, v3  }
.LBB2_2:
0x9e: {  	s0 =	sor.u32 s8, s24  }
0x9f: {  	s1 =	sadd.s32 $0xF, s0  }
0xa0: {  	s1 =	sshrl.u32 s1, $0x4  }
0xa1: {  	s26 =	sadd.s32 $0x3, s1  }
0xa2: {  	s30 =	sshrl.u32 s26, $0x2  }
0xa3: {  	p0 =	seq.s32 s30, $0x0  }
.Ltmp4:
0xa4: {  	_ = 	snop;
	(pc) =	sbr.rel @p0 .LBB2_6-.Ltmp4, $2  }
0xa5: {  	_ =	sdelay $0x2  }
0xa6: {  	v6 =	vimm.s32 $0x0  }
0xa7: {  	v4 =	vmov s0;
	_ =	sdelay $0x1  }
0xa8: {  	s5 =	simm.s32 $0x20  }
0xa9: {  	s6 =	simm.s32 $0x820;
	v5 =	vld [tilespmem:s5+$0xFFFFFFE0]  }
0xaa: {  	v7 =	vld [tilespmem:s6+$0xFFFFFFE0]  }
0xab: {  	v2 =	vld.idx.msk [tilespmem:v4+s3+$0x0], $0xffff  }
0xac: {  	v3 =	vld.idx.msk [tilespmem:v4+s21+$0x0], $0xffff;
	_ =	sdelay $0x1  }
0xad: {  	s0 =	simm.s32 $0x1020  }
0xae: {  	v8 =	vld [tilespmem:s0+$0xFFFFFFE0]  }
0xaf: {  	v4 =	vld.idx.msk [tilespmem:v4+s22+$0x0], $0xffff  }
0xb0: {  	v5 =	vsub.f32 v5, v2;
	v7 =	vsub.f32 v7, v3  }
0xb1: {  	s1 =	simm.s32 $0x18A0  }
0xb2: {  	v9 =	vld [tilespmem:s1+$0xFFFFFFE0];
	v5 =	vmul.f32 v5, v5;
	v7 =	vmul.f32 v7, v7;
	_ =	sdelay $0x1  }
0xb3: {  	v8 =	vadd.f32 v8, v4;
	v7 =	vadd.f32 v7, v5  }
0xb4: {  	s4 =	sshll.u32 s28, s24  }
0xb5: {  	v8 =	vmul.f32 v8, v8;
	v5 =	vmov s4;
	v7 =	vadd.f32 $9.999999960e-13, v7  }
0xb6: {  	v9 =	vand.u32 v5, v9  }
0xb7: {  	vm1 =	vne.s32 v9, $0x0;
	vm0 =	vlt.f32 v7, v8  }
0xb8: {  	vm0 =	vmand vm1, vm0  }
0xb9: {  	s4 =	simm.s32 $0x28A0;
	v7 =	vsel vm0, $0x1, v0  }
0xba: {  	[tilespmem:s4+$0xFFFFFFE0] =	vst v7  }
0xbb: {  	v8 =	vld [tilespmem:s5+$0xFFFFFFF0]  }
0xbc: {  	v9 =	vld [tilespmem:s6+$0xFFFFFFF0];
	_ =	sdelay $0x3  }
0xbd: {  	v10 =	vld [tilespmem:s0+$0xFFFFFFF0]  }
0xbe: {  	v8 =	vsub.f32 v8, v2;
	v9 =	vsub.f32 v9, v3;
	_ =	sdelay $0x1  }
0xbf: {  	v11 =	vld [tilespmem:s1+$0xFFFFFFF0];
	v8 =	vmul.f32 v8, v8;
	v9 =	vmul.f32 v9, v9;
	_ =	sdelay $0x1  }
0xc0: {  	v10 =	vadd.f32 v10, v4;
	v8 =	vadd.f32 v9, v8;
	_ =	sdelay $0x1  }
0xc1: {  	v9 =	vmul.f32 v10, v10;
	v8 =	vadd.f32 $9.999999960e-13, v8  }
0xc2: {  	v10 =	vand.u32 v5, v11  }
0xc3: {  	vm0 =	vne.s32 v10, $0x0;
	vm1 =	vlt.f32 v8, v9  }
0xc4: {  	vm0 =	vmand vm0, vm1  }
0xc5: {  	v8 =	vsel vm0, $0x1, v0  }
0xc6: {  	[tilespmem:s4+$0xFFFFFFF0] =	vst v8  }
0xc7: {  	v9 =	vld [tilespmem:s5+$0x0]  }
0xc8: {  	v10 =	vld [tilespmem:s6+$0x0];
	_ =	sdelay $0x3  }
0xc9: {  	v11 =	vld [tilespmem:s0+$0x0]  }
0xca: {  	v9 =	vsub.f32 v9, v2;
	v10 =	vsub.f32 v10, v3;
	_ =	sdelay $0x1  }
0xcb: {  	v12 =	vld [tilespmem:s1+$0x0];
	v9 =	vmul.f32 v9, v9;
	v10 =	vmul.f32 v10, v10;
	_ =	sdelay $0x1  }
0xcc: {  	v11 =	vadd.f32 v11, v4;
	v9 =	vadd.f32 v10, v9;
	_ =	sdelay $0x1  }
0xcd: {  	v10 =	vmul.f32 v11, v11;
	v9 =	vadd.f32 $9.999999960e-13, v9  }
0xce: {  	v11 =	vand.u32 v5, v12  }
0xcf: {  	vm0 =	vne.s32 v11, $0x0;
	vm1 =	vlt.f32 v9, v10  }
0xd0: {  	vm0 =	vmand vm0, vm1  }
0xd1: {  	v9 =	vsel vm0, $0x1, v0  }
0xd2: {  	[tilespmem:s4+$0x0] =	vst v9  }
0xd3: {  	v10 =	vld [tilespmem:s5+$0x10]  }
0xd4: {  	v11 =	vld [tilespmem:s6+$0x10];
	_ =	sdelay $0x2  }
0xd5: {  	s14 =	sshll.u32 s23, $0x2  }
0xd6: {  	v63 =	vld [tilespmem:s0+$0x10];
	s5 =	sand.u32 $0xFFFFFFC0, s14  }
0xd7: {  	s5 =	sadd.s32 $0xC0, s5;
	v10 =	vsub.f32 v10, v2;
	v11 =	vsub.f32 v11, v3  }
0xd8: {  	v13 =	vld [tilespmem:s1+$0x10];
	s5 =	sand.u32 $0xFFFFFF00, s5  }
0xd9: {  	p1 =	sne.s32 s5, $0x100;
	v10 =	vmul.f32 v10, v10;
	v11 =	vmul.f32 v11, v11  }
.Ltmp5:
0xda: {  	_ = 	snop;
	(pc) =	sbr.rel @!p1 .LBB2_5-.Ltmp5, $4  }
0xdb: {  	v6 =	vadd.s32 v7, v6;
	v12 =	vadd.f32 v63, v4;
	v10 =	vadd.f32 v11, v10  }
0xdc: {  	v6 =	vadd.s32 v8, v6  }
0xdd: {  	s7 =	simm.s32 $0x60;
	v7 =	vmul.f32 v12, v12;
	v11 =	vand.u32 v5, v13;
	v8 =	vadd.f32 $9.999999960e-13, v10  }
0xde: {  	s9 =	simm.s32 $0x28A0;
	v6 =	vadd.s32 v9, v6;
	s6 =	simm.s32 $0x860;
	s5 =	sadd.s32 $0xFFFFFF00, s5;
	vm0 =	vne.s32 v11, $0x0  }
.LBB2_4:
0xdf: {  	vm1 =	vlt.f32 v8, v7;
	s9 =	sadd.s32 $0x40, s9;
	s1 =	sadd.s32 $0x40, s1;
	s0 =	sadd.s32 $0x40, s0  }
0xe0: {  	p1 =	sne.s32 s5, $0x100;
	s5 =	sadd.s32 $0xFFFFFF00, s5;
	vm0 =	vmand vm0, vm1  }
0xe1: {  	v7 =	vsel vm0, $0x1, v0  }
0xe2: {  	[tilespmem:s4+$0x10] =	vst v7;
	v6 =	vadd.s32 v7, v6;
	s4 =	smov.u32 s9  }
0xe3: {  	v7 =	vld [tilespmem:s7+$0xFFFFFFE0]  }
0xe4: {  	v8 =	vld [tilespmem:s6+$0xFFFFFFE0];
	_ =	sdelay $0x3  }
0xe5: {  	v9 =	vld [tilespmem:s0+$0xFFFFFFE0];
	v7 =	vsub.f32 v7, v2  }
0xe6: {  	v8 =	vsub.f32 v8, v3;
	_ =	sdelay $0x1  }
0xe7: {  	v7 =	vmul.f32 v7, v7;
	v8 =	vmul.f32 v8, v8;
	v10 =	vld [tilespmem:s1+$0xFFFFFFE0];
	_ =	sdelay $0x1  }
0xe8: {  	v7 =	vadd.f32 v8, v7;
	v8 =	vadd.f32 v9, v4;
	_ =	sdelay $0x1  }
0xe9: {  	v7 =	vadd.f32 $9.999999960e-13, v7;
	v8 =	vmul.f32 v8, v8  }
0xea: {  	v9 =	vand.u32 v5, v10  }
0xeb: {  	vm0 =	vlt.f32 v7, v8;
	vm1 =	vne.s32 v9, $0x0  }
0xec: {  	vm0 =	vmand vm1, vm0  }
0xed: {  	v8 =	vsel vm0, $0x1, v0  }
0xee: {  	[tilespmem:s9+$0xFFFFFFE0] =	vst v8  }
0xef: {  	v7 =	vld [tilespmem:s7+$0xFFFFFFF0]  }
0xf0: {  	v9 =	vld [tilespmem:s6+$0xFFFFFFF0];
	_ =	sdelay $0x2  }
0xf1: {  	v10 =	vld [tilespmem:s0+$0xFFFFFFF0]  }
0xf2: {  	v7 =	vsub.f32 v7, v2  }
0xf3: {  	v9 =	vsub.f32 v9, v3  }
0xf4: {  	v7 =	vmul.f32 v7, v7;
	v11 =	vld [tilespmem:s1+$0xFFFFFFF0]  }
0xf5: {  	v9 =	vmul.f32 v9, v9  }
0xf6: {  	v10 =	vadd.f32 v10, v4  }
0xf7: {  	v7 =	vadd.f32 v9, v7  }
0xf8: {  	v9 =	vmul.f32 v10, v10  }
0xf9: {  	v7 =	vadd.f32 $9.999999960e-13, v7;
	v10 =	vand.u32 v5, v11  }
0xfa: {  	vm0 =	vne.s32 v10, $0x0  }
0xfb: {  	vm1 =	vlt.f32 v7, v9  }
0xfc: {  	vm0 =	vmand vm0, vm1  }
0xfd: {  	v9 =	vsel vm0, $0x1, v0  }
0xfe: {  	[tilespmem:s9+$0xFFFFFFF0] =	vst v9  }
0xff: {  	v7 =	vld [tilespmem:s7+$0x0]  }
0x100: {  	v10 =	vld [tilespmem:s6+$0x0];
	_ =	sdelay $0x1  }
0x101: {  	v11 =	vld [tilespmem:s0+$0x0];
	_ =	sdelay $0x1  }
0x102: {  	v7 =	vsub.f32 v7, v2  }
0x103: {  	v10 =	vsub.f32 v10, v3;
	v12 =	vld [tilespmem:s1+$0x0]  }
0x104: {  	v7 =	vmul.f32 v7, v7  }
0x105: {  	v10 =	vmul.f32 v10, v10;
	v11 =	vadd.f32 v11, v4;
	_ =	sdelay $0x1  }
0x106: {  	v7 =	vadd.f32 v10, v7;
	v10 =	vmul.f32 v11, v11  }
0x107: {  	v11 =	vand.u32 v5, v12  }
0x108: {  	v7 =	vadd.f32 $9.999999960e-13, v7;
	vm0 =	vne.s32 v11, $0x0;
	_ =	sdelay $0x1  }
0x109: {  	vm1 =	vlt.f32 v7, v10  }
0x10a: {  	vm0 =	vmand vm0, vm1  }
0x10b: {  	v10 =	vsel vm0, $0x1, v0  }
0x10c: {  	[tilespmem:s9+$0x0] =	vst v10  }
0x10d: {  	v7 =	vld [tilespmem:s7+$0x10]  }
0x10e: {  	v11 =	vld [tilespmem:s6+$0x10]  }
0x10f: {  	v12 =	vld [tilespmem:s0+$0x10]  }
0x110: {  	v13 =	vld [tilespmem:s1+$0x10];
	_ =	sdelay $0x1  }
0x111: {  	v7 =	vsub.f32 v7, v2  }
0x112: {  	v11 =	vsub.f32 v11, v3  }
0x113: {  	v14 =	vmul.f32 v7, v7;
	v7 =	vadd.f32 v12, v4  }
0x114: {  	v11 =	vmul.f32 v11, v11;
	v12 =	vand.u32 v5, v13  }
.Ltmp6:
0x115: {  	v7 =	vmul.f32 v7, v7;
	(pc) =	sbr.rel @p1 .LBB2_4-.Ltmp6, $4  }
0x116: {  	v11 =	vadd.f32 v11, v14  }
0x117: {  	v6 =	vadd.s32 v8, v6;
	vm0 =	vne.s32 v12, $0x0  }
0x118: {  	v6 =	vadd.s32 v9, v6;
	v8 =	vadd.f32 $9.999999960e-13, v11  }
0x119: {  	v6 =	vadd.s32 v10, v6;
	s7 =	sadd.s32 $0x40, s7;
	s6 =	sadd.s32 $0x40, s6  }
.LBB2_5:
0x11a: {  	vm1 =	vlt.f32 v8, v7  }
0x11b: {  	vm0 =	vmand vm0, vm1  }
0x11c: {  	v2 =	vsel vm0, $0x1, v0  }
0x11d: {  	[tilespmem:s4+$0x10] =	vst v2;
	v6 =	vadd.s32 v2, v6  }
.LBB2_6:
0x11e: {  	(xrf0) =	vadd.scan.msk.s32 $0xffff, v6;
	_ =	sdelay $0x5  }
0x11f: {  	v2, _, _ =	vpop (xrf0)  }
0x120: {  	(v2sf) =	vpush v2, $0xF;
	_ =	sdelay $0xe  }
0x121: {  	s0 =	spop (v2sf)  }
0x122: {  	p1 =	sgt.s32 s0, $0x0  }
.Ltmp7:
0x123: {  	_ = 	snop;
	(pc) =	sbr.rel @!p1 .LBB2_7-.Ltmp7, $1  }
0x124: {  	_ =	sdelay $0x3  }
0x125: {  	s1 =	scvt.s32.f32 s0;
	_ =	sdelay $0x1  }
0x126: {  	v2 =	vmov s1  }
0x127: {  	(erf) = vrcp.f32 v2;
	_ =	sdelay $0x2  }
0x128: {  	s14 =	sadd.s32 $0x1, s0  }
0x129: {  	p1 =	slt.s32 s14, $0x2  }
.Ltmp8:
0x12a: {  	_ = 	snop;
	(pc) =	sbr.rel @p1 .LBB2_47-.Ltmp8, $2  }
0x12b: {  	_ =	sdelay $0x2  }
0x12c: {  	v2 =	vimm.f32 $0.0e+00;
	v3 =	vpop (erf)  }
0x12d: {  	p1 =	seq.s32 s0, $0x1  }
.Ltmp9:
0x12e: {  	_ = 	snop;
	(pc) =	sbr.rel @p1 .LBB2_11-.Ltmp9, $2  }
0x12f: {  	_ =	sdelay $0x2  }
0x130: {  	s1 =	sadd.s32 $0xFFFFFFFF, s0  }
.LBB2_10:
0x131: {  	p1 =	seq.s32 s1, $0x1  }
.Ltmp10:
0x132: {  	_ = 	snop;
	(pc) =	sbr.rel @!p1 .LBB2_10-.Ltmp10, $2  }
0x133: {  	_ =	sdelay $0x2  }
0x134: {  	s1 =	sadd.s32 $0xFFFFFFFF, s1;
	v2 =	vadd.f32 v2, v3  }
.LBB2_11:
0x135: {  	_ = 	snop  }
0x136: {  	v4 =	vadd.f32 v2, v3;
	v2 =	vmov s24;
	_ =	sdelay $0x4  }
0x137: {  	v5 =	vld.idx.msk [tilespmem:v2+s25+$0x0], $0xffff;
	_ =	sdelay $0x4  }
0x138: {  	p1 =	sne.s32 s0, $0x1;
	v5 =	vsub.f32 $1.000000000e+00, v5  }
.Ltmp11:
0x139: {  	v6 =	vimm.f32 $0.0e+00;
	(pc) =	sbr.rel @!p1 .LBB2_13-.Ltmp11, $3  }
0x13a: {  	v4 =	vmul.f32 v5, v4;
	v5 =	vadd.f32 v6, v3;
	_ =	sdelay $0x1  }
0x13b: {  	vm0 =	vlt.f32 v5, v4  }
0x13c: {  	s0 =	sadd.s32 $0xFFFFFFFF, s0;
	v6 =	vimm.s32 $0x0;
	v7 =	vsel vm0, $0x1, v0  }
.LBB2_12:
0x13d: {  	p1 =	sne.s32 s0, $0x1;
	s0 =	sadd.s32 $0xFFFFFFFF, s0;
	v6 =	vadd.s32 v7, v6  }
.Ltmp12:
0x13e: {  	(pc) =	sbr.rel @p1 .LBB2_12-.Ltmp12, $3  }
0x13f: {  	v5 =	vadd.f32 v5, v3;
	_ =	sdelay $0x1  }
0x140: {  	vm0 =	vlt.f32 v5, v4  }
0x141: {  	v7 =	vsel vm0, $0x1, v0  }
.LBB2_13:
.Ltmp13:
0x142: {  	(pc) =	sbr.rel .LBB2_14-.Ltmp13, $3  }
0x143: {  	_ =	sdelay $0x1  }
0x144: {  	v3 =	vadd.s32 v7, v6  }
0x145: {  	v3 =	vxor.u32 $0x80000000, v3  }
.LBB2_47:
0x146: {  	v2 =	vmov s24;
	v3 =	vimm.s32 $0x80000000  }
.LBB2_14:
0x147: {  	(xrf0) =	vmax.scan.msk.u32 $0xffff, v3;
	_ =	sdelay $0x5  }
0x148: {  	v3, _, _ =	vpop (xrf0)  }
0x149: {  	(v2sf) =	vpush v3, $0xF;
	_ =	sdelay $0xe  }
0x14a: {  	s0 =	spop (v2sf)  }
0x14b: {  	p1 =	sgt.s32 @!p0 s0, $0xFFFFFFFE  }
0x14c: {  	p1 =	por p0, p1  }
.Ltmp14:
0x14d: {  	_ = 	snop;
	(pc) =	sbr.rel @p1 .LBB2_48-.Ltmp14, $2  }
0x14e: {  	_ =	sdelay $0x2  }
0x14f: {  	s1 =	simm.s32 $0x0;
	s4 =	simm.s32 $0xFFFFFFFC;
	s0 =	sadd.s32 $0x80000001, s0  }
0x150: {  	s5 =	simm.s32 $0x1;
	s6 =	simm.s32 $0x28A0  }
.LBB2_16:
0x151: {  	v3 =	vld [tilespmem:s6+$0xFFFFFFE0]  }
0x152: {  	v4 =	vld [tilespmem:s6+$0xFFFFFFF0]  }
0x153: {  	v5 =	vld [tilespmem:s6+$0x0]  }
0x154: {  	v6 =	vld [tilespmem:s6+$0x10];
	_ =	sdelay $0x2  }
0x155: {  	v3 =	vadd.s32 v3, v4  }
0x156: {  	v3 =	vadd.s32 v5, v3  }
0x157: {  	v3 =	vadd.s32 v6, v3  }
0x158: {  	(xrf0) =	vadd.scan.msk.s32 $0xffff, v3;
	_ =	sdelay $0x5  }
0x159: {  	v3, _, _ =	vpop (xrf0)  }
0x15a: {  	(v2sf) =	vpush v3, $0xF;
	_ =	sdelay $0xe  }
0x15b: {  	s7 =	smov.u32 s1;
	s14 =	spop (v2sf)  }
0x15c: {  	p0 =	sge.u32 s5, s30;
	s1 =	sadd.s32 s7, s14  }
0x15d: {  	p1 =	slt.s32 @!p0 s1, s0  }
0x15e: {  	p1 =	por p0, !p1  }
.Ltmp15:
0x15f: {  	_ = 	snop;
	(pc) =	sbr.rel @!p1 .LBB2_16-.Ltmp15, $2  }
0x160: {  	_ =	sdelay $0x2  }
0x161: {  	s4 =	sadd.s32 $0x4, s4;
	s5 =	sadd.s32 $0x1, s5;
	s6 =	sadd.s32 $0x40, s6  }
.Ltmp16:
0x162: {  	(pc) =	sbr.rel .LBB2_18-.Ltmp16, $3  }
0x163: {  	_ =	sdelay $0x1  }
0x164: {  	s7 =	smov.u32 @p0 s7  }
0x165: {  	s4 =	smov.u32 @p0 s4;
	s1 =	smov.u32 s7  }
.LBB2_48:
0x166: {  	s4 =	simm.s32 @p0 $0xFFFFFFFC;
	s1 =	simm.s32 @p0 $0x0  }
.LBB2_18:
0x167: {  	s5 =	sand.u32 $0xFFFFFFC, s26  }
0x168: {  	p0 =	sge.s32 s4, s5  }
0x169: {  	p1 =	sge.s32 @!p0 s1, s0  }
0x16a: {  	p1 =	por p0, p1  }
.Ltmp17:
0x16b: {  	_ = 	snop;
	(pc) =	sbr.rel @p1 .LBB2_19-.Ltmp17, $1  }
0x16c: {  	_ =	sdelay $0x3  }
0x16d: {  	s7 =	sshll.u32 s4, $0x6  }
0x16e: {  	s6 =	sadd.s32 $0x1, s4;
	s7 =	sshra.s32 s7, $0x2  }
0x16f: {  	v3 =	vmov s0;
	s9 =	sshll.u32 s4, $0x4;
	s4 =	simm.s32 $0x0;
	s7 =	sadd.s32 $0x2880, s7  }
.LBB2_21:
0x170: {  	v4 =	vld [tilespmem:s7+$0x0];
	_ =	sdelay $0x4  }
0x171: {  	(xrf0) =	vadd.scan.msk.s32 $0xffff, v4;
	_ =	sdelay $0x5  }
0x172: {  	v5, _, _ =	vpop (xrf0)  }
0x173: {  	v6 =	vadd.s32 s1, v5  }
0x174: {  	vm1 =	vgt.s32 v4, $0x0;
	vm0 =	veq.s32 v6, v3  }
0x175: {  	v4 =	vor.u32 s9, v1;
	vm0 =	vmand vm1, vm0  }
0x176: {  	v4 =	vnsel vm0, $0x0, v4  }
0x177: {  	(xrf0) =	vadd.scan.msk.s32 $0xffff, v4;
	_ =	sdelay $0x5  }
0x178: {  	v4, _, _ =	vpop (xrf0)  }
0x179: {  	(v2sf) =	vpush v4, $0xF  }
0x17a: {  	(v2sf) =	vpush v5, $0xF;
	_ =	sdelay $0xd  }
0x17b: {  	s11 =	spop (v2sf)  }
0x17c: {  	s13 =	spop (v2sf)  }
0x17d: {  	p0 =	sge.s32 s6, s5;
	s1 =	sadd.s32 s1, s13  }
0x17e: {  	p1 =	slt.s32 @!p0 s1, s0  }
0x17f: {  	p1 =	por p0, !p1  }
.Ltmp18:
0x180: {  	_ = 	snop;
	(pc) =	sbr.rel @!p1 .LBB2_21-.Ltmp18, $3  }
0x181: {  	_ =	sdelay $0x1  }
0x182: {  	s6 =	sadd.s32 $0x1, s6  }
0x183: {  	s7 =	sadd.s32 $0x10, s7;
	s9 =	sadd.s32 $0x10, s9;
	s4 =	sadd.s32 s4, s11  }
.Ltmp19:
0x184: {  	(pc) =	sbr.rel .LBB2_23-.Ltmp19, $2  }
0x185: {  	_ =	sdelay $0x2  }
0x186: {  	v2 =	vpsel p0, v2, v2;
	s4 =	smov.u32 @p0 s4  }
.LBB2_19:
.Ltmp20:
0x187: {  	(pc) =	sbr.rel .LBB2_23-.Ltmp20, $3  }
0x188: {  	_ =	sdelay $0x1  }
0x189: {  	s4 =	simm.s32 $0x0  }
0x18a: {  	v2 =	vpsel p0, v2, v2;
	s4 =	simm.s32 @p0 $0x0  }
.LBB2_24:
0x18b: {  	v2 =	vld [tilespmem:$0x3100];
	_ =	sdelay $0x4  }
0x18c: {  	vm0 =	vgt.s32 v2, $0x0  }
0x18d: {  	v3 =	vnsel vm0, $0x0, v2;
	_ =	sdelay $0x2  }
0x18e: {  	v6 =	vld [tilespmem:s8+$0x0]  }
0x18f: {  	s23 =	simm.s32 $0x0;
	v7 =	vld [tilespmem:s8+$0x800]  }
0x190: {  	v4 =	vld.idx.msk [tilespmem:v3+s23+$0x0], $0xffff  }
0x191: {  	v5 =	vld.idx.msk [tilespmem:v3+s21+$0x0], $0xffff;
	_ =	sdelay $0x4  }
0x192: {  	v4 =	vsub.f32 v4, v6;
	v5 =	vsub.f32 v5, v7;
	_ =	sdelay $0x1  }
0x193: {  	v6 =	vmul.f32 v4, v4;
	v7 =	vmul.f32 v5, v5;
	_ =	sdelay $0x1  }
0x194: {  	v6 =	vadd.f32 v7, v6;
	_ =	sdelay $0x1  }
0x195: {  	v6 =	vadd.f32 $9.999999960e-13, v6;
	_ =	sdelay $0x1  }
0x196: {  	v46 =	vshrl.u32 v6, $0x1  }
0x197: {  	v7 =	vadd.s32 $0x1FBD1DF5, v46  }
0x198: {  	(erf) = vrcp.f32 v7;
	_ =	sdelay $0x8  }
0x199: {  	v8 =	vpop (erf)  }
0x19a: {  	v8 =	vmul.f32 v8, v6;
	_ =	sdelay $0x1  }
0x19b: {  	v7 =	vadd.f32 v7, v8;
	_ =	sdelay $0x1  }
0x19c: {  	v7 =	vmul.f32 $5.000000000e-01, v7;
	_ =	sdelay $0x1  }
0x19d: {  	(erf) = vrcp.f32 v7;
	_ =	sdelay $0x8  }
0x19e: {  	v47 =	vpop (erf)  }
0x19f: {  	v8 =	vmul.f32 v47, v6;
	_ =	sdelay $0x1  }
0x1a0: {  	v7 =	vadd.f32 v8, v7;
	_ =	sdelay $0x1  }
0x1a1: {  	v7 =	vmul.f32 $5.000000000e-01, v7;
	_ =	sdelay $0x1  }
0x1a2: {  	(erf) = vrcp.f32 v7;
	_ =	sdelay $0x8  }
0x1a3: {  	v48 =	vpop (erf)  }
0x1a4: {  	v8 =	vmul.f32 v48, v6;
	_ =	sdelay $0x1  }
0x1a5: {  	v7 =	vadd.f32 v8, v7;
	_ =	sdelay $0x1  }
0x1a6: {  	v7 =	vmul.f32 $5.000000000e-01, v7;
	_ =	sdelay $0x1  }
0x1a7: {  	(erf) = vrcp.f32 v7;
	_ =	sdelay $0x8  }
0x1a8: {  	v49 =	vpop (erf)  }
0x1a9: {  	v6 =	vmul.f32 v49, v6;
	_ =	sdelay $0x1  }
0x1aa: {  	v6 =	vadd.f32 v6, v7;
	_ =	sdelay $0x1  }
0x1ab: {  	v6 =	vmul.f32 $5.000000000e-01, v6;
	_ =	sdelay $0x1  }
0x1ac: {  	(erf) = vrcp.f32 v6;
	_ =	sdelay $0x1  }
0x1ad: {  	v50 =	vld [tilespmem:s8+$0x1000]  }
0x1ae: {  	v3 =	vld.idx.msk [tilespmem:v3+s22+$0x0], $0xffff;
	_ =	sdelay $0x2  }
0x1af: {  	v51 =	vld [tilespmem:$0x3110];
	_ =	sdelay $0x1  }
0x1b0: {  	v3 =	vadd.f32 v50, v3  }
0x1b1: {  	v52 =	vpop (erf)  }
0x1b2: {  	v3 =	vsub.f32 v3, v6;
	v4 =	vmul.f32 v52, v4  }
0x1b3: {  	vm13 =	vgt.s32 v51, $0x0;
	v5 =	vmul.f32 v52, v5  }
0x1b4: {  	v53 =	vnsel vm13, $0x0, v51;
	v4 =	vmul.f32 v4, v3  }
0x1b5: {  	vm14 =	vgt.s32 v2, $0xFFFFFFFF;
	v2 =	vmul.f32 v5, v3  }
0x1b6: {  	v3 =	vnsel vm14, $0x0, v4  }
0x1b7: {  	v2 =	vnsel vm14, $0x0, v2;
	[tilespmem:$0x3180] =	vst v3  }
0x1b8: {  	[tilespmem:$0x3200] =	vst v2  }
0x1b9: {  	v2 =	vld.idx.msk [tilespmem:v53+s23+$0x0], $0xffff  }
0x1ba: {  	v3 =	vld.idx.msk [tilespmem:v53+s21+$0x0], $0xffff  }
0x1bb: {  	v54 =	vld [tilespmem:s12+$0x0]  }
0x1bc: {  	v55 =	vld [tilespmem:s12+$0x800];
	_ =	sdelay $0x4  }
0x1bd: {  	v2 =	vsub.f32 v2, v54;
	v3 =	vsub.f32 v3, v55;
	_ =	sdelay $0x1  }
0x1be: {  	v4 =	vmul.f32 v2, v2;
	v5 =	vmul.f32 v3, v3;
	_ =	sdelay $0x1  }
0x1bf: {  	v4 =	vadd.f32 v5, v4;
	_ =	sdelay $0x1  }
0x1c0: {  	v4 =	vadd.f32 $9.999999960e-13, v4;
	_ =	sdelay $0x1  }
0x1c1: {  	v56 =	vshrl.u32 v4, $0x1  }
0x1c2: {  	v5 =	vadd.s32 $0x1FBD1DF5, v56  }
0x1c3: {  	(erf) = vrcp.f32 v5;
	_ =	sdelay $0x8  }
0x1c4: {  	v57 =	vpop (erf)  }
0x1c5: {  	v7 =	vmul.f32 v57, v4;
	_ =	sdelay $0x1  }
0x1c6: {  	v5 =	vadd.f32 v5, v7;
	_ =	sdelay $0x1  }
0x1c7: {  	v5 =	vmul.f32 $5.000000000e-01, v5;
	_ =	sdelay $0x1  }
0x1c8: {  	(erf) = vrcp.f32 v5;
	_ =	sdelay $0x8  }
0x1c9: {  	v58 =	vpop (erf)  }
0x1ca: {  	v7 =	vmul.f32 v58, v4;
	_ =	sdelay $0x1  }
0x1cb: {  	v5 =	vadd.f32 v7, v5;
	_ =	sdelay $0x1  }
0x1cc: {  	v5 =	vmul.f32 $5.000000000e-01, v5;
	_ =	sdelay $0x1  }
0x1cd: {  	(erf) = vrcp.f32 v5;
	_ =	sdelay $0x8  }
0x1ce: {  	v59 =	vpop (erf)  }
0x1cf: {  	v7 =	vmul.f32 v59, v4;
	_ =	sdelay $0x1  }
0x1d0: {  	v5 =	vadd.f32 v7, v5;
	_ =	sdelay $0x1  }
0x1d1: {  	v5 =	vmul.f32 $5.000000000e-01, v5;
	_ =	sdelay $0x1  }
0x1d2: {  	(erf) = vrcp.f32 v5;
	_ =	sdelay $0x8  }
0x1d3: {  	v60 =	vpop (erf)  }
0x1d4: {  	v4 =	vmul.f32 v60, v4;
	_ =	sdelay $0x1  }
0x1d5: {  	v4 =	vadd.f32 v4, v5;
	_ =	sdelay $0x1  }
0x1d6: {  	v4 =	vmul.f32 $5.000000000e-01, v4;
	_ =	sdelay $0x1  }
0x1d7: {  	(erf) = vrcp.f32 v4;
	_ =	sdelay $0x1  }
0x1d8: {  	v61 =	vld.idx.msk [tilespmem:v53+s22+$0x0], $0xffff  }
0x1d9: {  	v62 =	vld [tilespmem:s12+$0x1000];
	_ =	sdelay $0x4  }
0x1da: {  	v5 =	vadd.f32 v62, v61  }
0x1db: {  	v63 =	vpop (erf)  }
0x1dc: {  	v4 =	vsub.f32 v5, v4;
	v2 =	vmul.f32 v63, v2  }
0x1dd: {  	v3 =	vmul.f32 v63, v3  }
0x1de: {  	v2 =	vmul.f32 v2, v4  }
0x1df: {  	vm15 =	vgt.s32 v51, $0xFFFFFFFF;
	v3 =	vmul.f32 v3, v4  }
0x1e0: {  	v2 =	vnsel vm15, $0x0, v2  }
0x1e1: {  	[tilespmem:$0x3190] =	vst v2;
	v2 =	vnsel vm15, $0x0, v3  }
0x1e2: {  	s0 =	rddreg [dreg:$0x9];
	s1 =	simm.s32 $0x3180;
	[tilespmem:$0x3210] =	vst v2  }
0x1e3: {  	[hbm4b:s0+s23] =	stream.linear.scatter [tilespmem:s1], [sflag:$0x2], $0x20, $0x38;
	[tilespmem:$0x3280] =	vst v63  }
0x1e4: {  	_ =	swait.ge [sflag:s31], $0x20  }
0x1e5: {  	s30 =	simm.s32 $0x3200;
	[sflag:s31] =	ssyncset.done $0x0  }
.Ltmp21:
0x1e6: {  	s26 =	rddreg [dreg:$0xa];
	[sflag:s31] =	ssyncadd.s32 $0xFFFFFFE0;
	(pc) =	sbr.rel .LBB2_25-.Ltmp21, $4  }
0x1e7: {  	[hbm4b:s26+s23] =	stream.linear.scatter [tilespmem:s30], [sflag:$0x2], $0x20, $0x38;
	[tilespmem:$0x3280] =	vst v63  }
0x1e8: {  	_ =	swait.ge [sflag:s31], $0x20  }
0x1e9: {  	[sflag:s31] =	ssyncset.done $0x0  }
0x1ea: {  	s24 =	smov.u32 s19;
	s26 =	simm.s32 $0x0;
	[sflag:s31] =	ssyncadd.s32 $0xFFFFFFE0  }
.LBB2_28:
0x1eb: {  	s0 =	sor.u32 $0x20, s26  }
0x1ec: {  	s5 =	simm.s32 $0xFFFFFFFF;
	v2 =	vmov s0  }
.LBB2_44:
0x1ed: {  	s26 =	sadd.s32 $0x1, s26  }
0x1ee: {  	p0 =	sne.s32 s26, $0x20  }
.Ltmp22:
0x1ef: {  	_ = 	snop;
	(pc) =	sbr.rel @!p0 .LBB2_45-.Ltmp22, $3  }
0x1f0: {  	_ =	sdelay $0x1  }
0x1f1: {  	v3 =	vmov s5  }
0x1f2: {  	s24 =	sadd.s32 $0x1, s24;
	[tilespmem:v2+s29+$0x0] =	vst.idx.msk $0x1, v3  }
.LBB2_25:
0x1f3: {  	s0 =	sor.u32 s10, s26  }
0x1f4: {  	v4 =	vmov s0;
	_ =	sdelay $0x1  }
0x1f5: {  	s6 =	simm.s32 $0x20  }
0x1f6: {  	s4 =	simm.s32 $0x820;
	v5 =	vld [tilespmem:s6+$0xFFFFFFE0]  }
0x1f7: {  	v6 =	vld [tilespmem:s4+$0xFFFFFFE0]  }
0x1f8: {  	v2 =	vld.idx.msk [tilespmem:v4+s23+$0x0], $0xffff  }
0x1f9: {  	v3 =	vld.idx.msk [tilespmem:v4+s21+$0x0], $0xffff;
	_ =	sdelay $0x1  }
0x1fa: {  	s7 =	simm.s32 $0x1020  }
0x1fb: {  	v7 =	vld [tilespmem:s7+$0xFFFFFFE0]  }
0x1fc: {  	v4 =	vld.idx.msk [tilespmem:v4+s22+$0x0], $0xffff  }
0x1fd: {  	v5 =	vsub.f32 v5, v2;
	v6 =	vsub.f32 v6, v3  }
0x1fe: {  	s1 =	sand.u32 $0xFFFFFFC0, s23  }
0x1ff: {  	v8 =	vld [tilespmem:s1+$0x2080];
	v5 =	vmul.f32 v5, v5;
	v6 =	vmul.f32 v6, v6;
	_ =	sdelay $0x1  }
0x200: {  	v7 =	vadd.f32 v7, v4;
	v6 =	vadd.f32 v6, v5  }
0x201: {  	s13 =	sshll.u32 s28, s26  }
0x202: {  	v7 =	vmul.f32 v7, v7;
	v5 =	vmov s13;
	v6 =	vadd.f32 $9.999999960e-13, v6  }
0x203: {  	v8 =	vand.u32 v5, v8  }
0x204: {  	vm1 =	vne.s32 v8, $0x0;
	vm0 =	vlt.f32 v6, v7  }
0x205: {  	vm0 =	vmand vm1, vm0  }
0x206: {  	s1 =	simm.s32 $0x28A0;
	v6 =	vsel vm0, $0x1, v0  }
0x207: {  	[tilespmem:s1+$0xFFFFFFE0] =	vst v6  }
0x208: {  	v7 =	vld [tilespmem:s6+$0xFFFFFFF0]  }
0x209: {  	v8 =	vld [tilespmem:s4+$0xFFFFFFF0];
	_ =	sdelay $0x3  }
0x20a: {  	v9 =	vld [tilespmem:s7+$0xFFFFFFF0]  }
0x20b: {  	v7 =	vsub.f32 v7, v2;
	v8 =	vsub.f32 v8, v3  }
0x20c: {  	s5 =	simm.s32 $0x20B0  }
0x20d: {  	v10 =	vld [tilespmem:s5+$0xFFFFFFE0];
	v7 =	vmul.f32 v7, v7;
	v8 =	vmul.f32 v8, v8;
	_ =	sdelay $0x1  }
0x20e: {  	v9 =	vadd.f32 v9, v4;
	v7 =	vadd.f32 v8, v7;
	_ =	sdelay $0x1  }
0x20f: {  	v8 =	vmul.f32 v9, v9;
	v7 =	vadd.f32 $9.999999960e-13, v7  }
0x210: {  	v9 =	vand.u32 v5, v10  }
0x211: {  	vm0 =	vne.s32 v9, $0x0;
	vm1 =	vlt.f32 v7, v8  }
0x212: {  	vm0 =	vmand vm0, vm1  }
0x213: {  	v8 =	vsel vm0, $0x1, v0  }
0x214: {  	[tilespmem:s1+$0xFFFFFFF0] =	vst v8  }
0x215: {  	v7 =	vld [tilespmem:s6+$0x0]  }
0x216: {  	v9 =	vld [tilespmem:s4+$0x0];
	_ =	sdelay $0x3  }
0x217: {  	v10 =	vld [tilespmem:s7+$0x0]  }
0x218: {  	v7 =	vsub.f32 v7, v2;
	v9 =	vsub.f32 v9, v3;
	_ =	sdelay $0x1  }
0x219: {  	v11 =	vld [tilespmem:s5+$0xFFFFFFF0];
	v7 =	vmul.f32 v7, v7;
	v9 =	vmul.f32 v9, v9;
	_ =	sdelay $0x1  }
0x21a: {  	v10 =	vadd.f32 v10, v4;
	v7 =	vadd.f32 v9, v7;
	_ =	sdelay $0x1  }
0x21b: {  	v9 =	vmul.f32 v10, v10;
	v7 =	vadd.f32 $9.999999960e-13, v7  }
0x21c: {  	v10 =	vand.u32 v5, v11  }
0x21d: {  	vm0 =	vne.s32 v10, $0x0;
	vm1 =	vlt.f32 v7, v9  }
0x21e: {  	vm0 =	vmand vm0, vm1  }
0x21f: {  	v9 =	vsel vm0, $0x1, v0  }
0x220: {  	[tilespmem:s1+$0x0] =	vst v9  }
0x221: {  	v7 =	vld [tilespmem:s6+$0x10]  }
0x222: {  	v10 =	vld [tilespmem:s4+$0x10];
	_ =	sdelay $0x2  }
0x223: {  	s14 =	sand.u32 $0xFFFFFFF0, s24  }
0x224: {  	v11 =	vld [tilespmem:s7+$0x10];
	s6 =	sadd.s32 $0x30, s14  }
0x225: {  	v12 =	vld [tilespmem:s5+$0x0];
	s6 =	sand.u32 $0xFFFFFFC0, s6;
	v7 =	vsub.f32 v7, v2;
	v10 =	vsub.f32 v10, v3  }
0x226: {  	p0 =	sne.s32 s6, $0x40  }
.Ltmp23:
0x227: {  	v13 =	vimm.s32 $0x0;
	v7 =	vmul.f32 v7, v7;
	v10 =	vmul.f32 v10, v10;
	(pc) =	sbr.rel @!p0 .LBB2_27-.Ltmp23, $4  }
0x228: {  	s0 =	sadd.s32 $0xF, s0;
	v6 =	vadd.s32 v6, v13  }
0x229: {  	s0 =	sshrl.u32 s0, $0x4;
	v6 =	vadd.s32 v8, v6;
	v11 =	vadd.f32 v11, v4;
	v10 =	vadd.f32 v10, v7  }
0x22a: {  	s9 =	simm.s32 $0x60;
	s11 =	simm.s32 $0x28E0;
	s30 =	sadd.s32 $0x3, s0;
	v6 =	vadd.s32 v9, v6;
	v12 =	vand.u32 v5, v12  }
0x22b: {  	s0 =	sshrl.u32 s30, $0x2;
	s13 =	simm.s32 $0x1060;
	s7 =	simm.s32 $0x40;
	vm0 =	vne.s32 v12, $0x0;
	v7 =	vmul.f32 v11, v11;
	v8 =	vadd.f32 $9.999999960e-13, v10  }
.LBB2_26:
0x22c: {  	s5 =	sadd.s32 $0x40, s5  }
0x22d: {  	vm1 =	vlt.f32 v8, v7;
	s4 =	sadd.s32 $0x40, s4;
	s14 =	smov.u32 s7;
	s7 =	sadd.s32 $0x40, s7  }
0x22e: {  	p0 =	sne.s32 s6, s7;
	vm0 =	vmand vm0, vm1  }
0x22f: {  	v7 =	vsel vm0, $0x1, v0  }
0x230: {  	[tilespmem:s1+$0x10] =	vst v7;
	v6 =	vadd.s32 v7, v6;
	s1 =	smov.u32 s11  }
0x231: {  	v7 =	vld [tilespmem:s9+$0xFFFFFFE0]  }
0x232: {  	v8 =	vld [tilespmem:s4+$0xFFFFFFE0];
	_ =	sdelay $0x3  }
0x233: {  	v9 =	vld [tilespmem:s13+$0xFFFFFFE0];
	v7 =	vsub.f32 v7, v2  }
0x234: {  	v8 =	vsub.f32 v8, v3  }
0x235: {  	s14 =	sand.u32 $0xFFFFFFC0, s14  }
0x236: {  	v7 =	vmul.f32 v7, v7;
	v8 =	vmul.f32 v8, v8;
	v10 =	vld [tilespmem:s14+$0x2080];
	_ =	sdelay $0x1  }
0x237: {  	v7 =	vadd.f32 v8, v7;
	v8 =	vadd.f32 v9, v4;
	_ =	sdelay $0x1  }
0x238: {  	v7 =	vadd.f32 $9.999999960e-13, v7;
	v8 =	vmul.f32 v8, v8  }
0x239: {  	v9 =	vand.u32 v5, v10  }
0x23a: {  	vm0 =	vlt.f32 v7, v8;
	vm1 =	vne.s32 v9, $0x0  }
0x23b: {  	vm0 =	vmand vm1, vm0  }
0x23c: {  	v8 =	vsel vm0, $0x1, v0  }
0x23d: {  	[tilespmem:s11+$0xFFFFFFE0] =	vst v8  }
0x23e: {  	v7 =	vld [tilespmem:s9+$0xFFFFFFF0]  }
0x23f: {  	v9 =	vld [tilespmem:s4+$0xFFFFFFF0];
	_ =	sdelay $0x2  }
0x240: {  	v10 =	vld [tilespmem:s13+$0xFFFFFFF0]  }
0x241: {  	v7 =	vsub.f32 v7, v2  }
0x242: {  	v9 =	vsub.f32 v9, v3  }
0x243: {  	v7 =	vmul.f32 v7, v7;
	v11 =	vld [tilespmem:s5+$0xFFFFFFE0]  }
0x244: {  	v9 =	vmul.f32 v9, v9  }
0x245: {  	v10 =	vadd.f32 v10, v4  }
0x246: {  	v7 =	vadd.f32 v9, v7  }
0x247: {  	v9 =	vmul.f32 v10, v10  }
0x248: {  	v7 =	vadd.f32 $9.999999960e-13, v7;
	v10 =	vand.u32 v5, v11  }
0x249: {  	vm0 =	vne.s32 v10, $0x0  }
0x24a: {  	vm1 =	vlt.f32 v7, v9  }
0x24b: {  	vm0 =	vmand vm0, vm1  }
0x24c: {  	v9 =	vsel vm0, $0x1, v0  }
0x24d: {  	[tilespmem:s11+$0xFFFFFFF0] =	vst v9  }
0x24e: {  	v7 =	vld [tilespmem:s9+$0x0]  }
0x24f: {  	v10 =	vld [tilespmem:s4+$0x0];
	_ =	sdelay $0x1  }
0x250: {  	v11 =	vld [tilespmem:s13+$0x0];
	_ =	sdelay $0x1  }
0x251: {  	v7 =	vsub.f32 v7, v2  }
0x252: {  	v10 =	vsub.f32 v10, v3;
	v12 =	vld [tilespmem:s5+$0xFFFFFFF0]  }
0x253: {  	v7 =	vmul.f32 v7, v7  }
0x254: {  	v10 =	vmul.f32 v10, v10;
	v11 =	vadd.f32 v11, v4;
	_ =	sdelay $0x1  }
0x255: {  	v7 =	vadd.f32 v10, v7;
	v10 =	vmul.f32 v11, v11  }
0x256: {  	v11 =	vand.u32 v5, v12  }
0x257: {  	v7 =	vadd.f32 $9.999999960e-13, v7;
	vm0 =	vne.s32 v11, $0x0;
	_ =	sdelay $0x1  }
0x258: {  	vm1 =	vlt.f32 v7, v10  }
0x259: {  	vm0 =	vmand vm0, vm1  }
0x25a: {  	v10 =	vsel vm0, $0x1, v0  }
0x25b: {  	[tilespmem:s11+$0x0] =	vst v10  }
0x25c: {  	v7 =	vld [tilespmem:s9+$0x10]  }
0x25d: {  	v11 =	vld [tilespmem:s4+$0x10]  }
0x25e: {  	v12 =	vld [tilespmem:s13+$0x10]  }
0x25f: {  	v13 =	vld [tilespmem:s5+$0x0];
	_ =	sdelay $0x1  }
0x260: {  	v7 =	vsub.f32 v7, v2  }
0x261: {  	v11 =	vsub.f32 v11, v3  }
0x262: {  	v14 =	vmul.f32 v7, v7;
	v7 =	vadd.f32 v12, v4  }
0x263: {  	v11 =	vmul.f32 v11, v11;
	v12 =	vand.u32 v5, v13  }
.Ltmp24:
0x264: {  	v7 =	vmul.f32 v7, v7;
	(pc) =	sbr.rel @p0 .LBB2_26-.Ltmp24, $4  }
0x265: {  	v11 =	vadd.f32 v11, v14  }
0x266: {  	v6 =	vadd.s32 v8, v6;
	vm0 =	vne.s32 v12, $0x0  }
0x267: {  	v6 =	vadd.s32 v9, v6;
	v8 =	vadd.f32 $9.999999960e-13, v11  }
0x268: {  	v6 =	vadd.s32 v10, v6;
	s11 =	sadd.s32 $0x40, s11;
	s9 =	sadd.s32 $0x40, s9;
	s13 =	sadd.s32 $0x40, s13  }
.LBB2_27:
0x269: {  	_ = 	snop  }
0x26a: {  	vm1 =	vlt.f32 v8, v7  }
0x26b: {  	vm0 =	vmand vm0, vm1  }
0x26c: {  	v2 =	vsel vm0, $0x1, v0  }
0x26d: {  	v3 =	vadd.s32 v2, v6  }
0x26e: {  	(xrf0) =	vadd.scan.msk.s32 $0xffff, v3;
	_ =	sdelay $0x5  }
0x26f: {  	v3, _, _ =	vpop (xrf0)  }
0x270: {  	(v2sf) =	vpush v3, $0xF;
	_ =	sdelay $0xe  }
0x271: {  	s4 =	spop (v2sf)  }
0x272: {  	p0 =	sgt.s32 s4, $0x0  }
.Ltmp25:
0x273: {  	_ = 	snop;
	(pc) =	sbr.rel @!p0 .LBB2_28-.Ltmp25, $2  }
0x274: {  	_ =	sdelay $0x2  }
0x275: {  	[tilespmem:s1+$0x10] =	vst v2  }
0x276: {  	s1 =	scvt.s32.f32 s4;
	_ =	sdelay $0x1  }
0x277: {  	v2 =	vmov s1  }
0x278: {  	(erf) = vrcp.f32 v2;
	_ =	sdelay $0x2  }
0x279: {  	s14 =	sadd.s32 $0x1, s4  }
0x27a: {  	p0 =	slt.s32 s14, $0x2  }
.Ltmp26:
0x27b: {  	_ = 	snop;
	(pc) =	sbr.rel @p0 .LBB2_49-.Ltmp26, $2  }
0x27c: {  	_ =	sdelay $0x2  }
0x27d: {  	v2 =	vimm.f32 $0.0e+00;
	v3 =	vpop (erf)  }
0x27e: {  	p0 =	seq.s32 s4, $0x1  }
.Ltmp27:
0x27f: {  	_ = 	snop;
	(pc) =	sbr.rel @p0 .LBB2_32-.Ltmp27, $2  }
0x280: {  	_ =	sdelay $0x2  }
0x281: {  	s1 =	sadd.s32 $0xFFFFFFFF, s4  }
.LBB2_31:
0x282: {  	p0 =	seq.s32 s1, $0x1  }
.Ltmp28:
0x283: {  	_ = 	snop;
	(pc) =	sbr.rel @!p0 .LBB2_31-.Ltmp28, $2  }
0x284: {  	_ =	sdelay $0x2  }
0x285: {  	s1 =	sadd.s32 $0xFFFFFFFF, s1;
	v2 =	vadd.f32 v2, v3  }
.LBB2_32:
0x286: {  	s1 =	sor.u32 $0x20, s26  }
0x287: {  	v4 =	vadd.f32 v2, v3;
	v2 =	vmov s1;
	_ =	sdelay $0x4  }
0x288: {  	v5 =	vld.idx.msk [tilespmem:v2+s25+$0x0], $0xffff;
	_ =	sdelay $0x4  }
0x289: {  	p0 =	sne.s32 s4, $0x1;
	v5 =	vsub.f32 $1.000000000e+00, v5  }
.Ltmp29:
0x28a: {  	v6 =	vimm.f32 $0.0e+00;
	(pc) =	sbr.rel @!p0 .LBB2_34-.Ltmp29, $3  }
0x28b: {  	v4 =	vmul.f32 v5, v4;
	v5 =	vadd.f32 v6, v3;
	_ =	sdelay $0x1  }
0x28c: {  	vm0 =	vlt.f32 v5, v4  }
0x28d: {  	s1 =	sadd.s32 $0xFFFFFFFF, s4;
	v6 =	vimm.s32 $0x0;
	v7 =	vsel vm0, $0x1, v0  }
.LBB2_33:
0x28e: {  	p0 =	sne.s32 s1, $0x1;
	s1 =	sadd.s32 $0xFFFFFFFF, s1;
	v6 =	vadd.s32 v7, v6  }
.Ltmp30:
0x28f: {  	(pc) =	sbr.rel @p0 .LBB2_33-.Ltmp30, $3  }
0x290: {  	v5 =	vadd.f32 v5, v3;
	_ =	sdelay $0x1  }
0x291: {  	vm0 =	vlt.f32 v5, v4  }
0x292: {  	v7 =	vsel vm0, $0x1, v0  }
.LBB2_34:
.Ltmp31:
0x293: {  	(pc) =	sbr.rel .LBB2_35-.Ltmp31, $3  }
0x294: {  	_ =	sdelay $0x1  }
0x295: {  	v3 =	vadd.s32 v7, v6  }
0x296: {  	v3 =	vxor.u32 $0x80000000, v3  }
.LBB2_49:
0x297: {  	s1 =	sor.u32 $0x20, s26  }
0x298: {  	v3 =	vimm.s32 $0x80000000;
	v2 =	vmov s1  }
.LBB2_35:
0x299: {  	(xrf0) =	vmax.scan.msk.u32 $0xffff, v3;
	_ =	sdelay $0x5  }
0x29a: {  	v3, _, _ =	vpop (xrf0)  }
0x29b: {  	(v2sf) =	vpush v3, $0xF;
	_ =	sdelay $0xe  }
0x29c: {  	s1 =	spop (v2sf)  }
0x29d: {  	p0 =	sgt.s32 s1, $0xFFFFFFFE  }
.Ltmp32:
0x29e: {  	_ = 	snop;
	(pc) =	sbr.rel @p0 .LBB2_39-.Ltmp32, $2  }
0x29f: {  	_ =	sdelay $0x2  }
0x2a0: {  	s4 =	simm.s32 $0x0;
	s5 =	simm.s32 $0xFFFFFFFC;
	s1 =	sadd.s32 $0x80000001, s1  }
0x2a1: {  	s6 =	simm.s32 $0x1;
	s7 =	simm.s32 $0x28A0  }
.LBB2_37:
0x2a2: {  	v3 =	vld [tilespmem:s7+$0xFFFFFFE0]  }
0x2a3: {  	v4 =	vld [tilespmem:s7+$0xFFFFFFF0]  }
0x2a4: {  	v5 =	vld [tilespmem:s7+$0x0]  }
0x2a5: {  	v6 =	vld [tilespmem:s7+$0x10];
	_ =	sdelay $0x2  }
0x2a6: {  	v3 =	vadd.s32 v3, v4  }
0x2a7: {  	v3 =	vadd.s32 v5, v3  }
0x2a8: {  	v3 =	vadd.s32 v6, v3  }
0x2a9: {  	(xrf0) =	vadd.scan.msk.s32 $0xffff, v3;
	_ =	sdelay $0x5  }
0x2aa: {  	v3, _, _ =	vpop (xrf0)  }
0x2ab: {  	(v2sf) =	vpush v3, $0xF;
	_ =	sdelay $0xe  }
0x2ac: {  	s9 =	smov.u32 s4;
	s14 =	spop (v2sf)  }
0x2ad: {  	p0 =	sge.u32 s6, s0;
	s4 =	sadd.s32 s9, s14  }
0x2ae: {  	p1 =	slt.s32 @!p0 s4, s1  }
0x2af: {  	p1 =	por p0, !p1  }
.Ltmp33:
0x2b0: {  	_ = 	snop;
	(pc) =	sbr.rel @!p1 .LBB2_37-.Ltmp33, $2  }
0x2b1: {  	_ =	sdelay $0x2  }
0x2b2: {  	s5 =	sadd.s32 $0x4, s5;
	s6 =	sadd.s32 $0x1, s6;
	s7 =	sadd.s32 $0x40, s7  }
0x2b3: {  	s9 =	smov.u32 @p0 s9  }
0x2b4: {  	s5 =	smov.u32 @p0 s5;
	s4 =	smov.u32 s9  }
.LBB2_39:
0x2b5: {  	s0 =	sand.u32 $0xFFFFFFC, s30  }
0x2b6: {  	p0 =	sge.s32 s5, s0  }
0x2b7: {  	p1 =	sge.s32 @!p0 s4, s1  }
0x2b8: {  	p1 =	por p0, p1  }
.Ltmp34:
0x2b9: {  	_ = 	snop;
	(pc) =	sbr.rel @p1 .LBB2_40-.Ltmp34, $1  }
0x2ba: {  	_ =	sdelay $0x3  }
0x2bb: {  	s7 =	sshll.u32 s5, $0x6  }
0x2bc: {  	s6 =	sadd.s32 $0x1, s5;
	s7 =	sshra.s32 s7, $0x2  }
0x2bd: {  	v3 =	vmov s1;
	s9 =	sshll.u32 s5, $0x4;
	s5 =	simm.s32 $0x0;
	s7 =	sadd.s32 $0x2880, s7  }
.LBB2_42:
0x2be: {  	v4 =	vld [tilespmem:s7+$0x0];
	_ =	sdelay $0x4  }
0x2bf: {  	(xrf0) =	vadd.scan.msk.s32 $0xffff, v4;
	_ =	sdelay $0x5  }
0x2c0: {  	v5, _, _ =	vpop (xrf0)  }
0x2c1: {  	v6 =	vadd.s32 s4, v5  }
0x2c2: {  	vm1 =	vgt.s32 v4, $0x0;
	vm0 =	veq.s32 v6, v3  }
0x2c3: {  	v4 =	vor.u32 s9, v1;
	vm0 =	vmand vm1, vm0  }
0x2c4: {  	v4 =	vnsel vm0, $0x0, v4  }
0x2c5: {  	(xrf0) =	vadd.scan.msk.s32 $0xffff, v4;
	_ =	sdelay $0x5  }
0x2c6: {  	v4, _, _ =	vpop (xrf0)  }
0x2c7: {  	(v2sf) =	vpush v4, $0xF  }
0x2c8: {  	(v2sf) =	vpush v5, $0xF;
	_ =	sdelay $0xd  }
0x2c9: {  	s11 =	spop (v2sf)  }
0x2ca: {  	s13 =	spop (v2sf)  }
0x2cb: {  	p0 =	sge.s32 s6, s0;
	s4 =	sadd.s32 s4, s13  }
0x2cc: {  	p1 =	slt.s32 @!p0 s4, s1  }
0x2cd: {  	p1 =	por p0, !p1  }
.Ltmp35:
0x2ce: {  	_ = 	snop;
	(pc) =	sbr.rel @!p1 .LBB2_42-.Ltmp35, $3  }
0x2cf: {  	_ =	sdelay $0x1  }
0x2d0: {  	s6 =	sadd.s32 $0x1, s6  }
0x2d1: {  	s7 =	sadd.s32 $0x10, s7;
	s9 =	sadd.s32 $0x10, s9;
	s5 =	sadd.s32 s5, s11  }
.Ltmp36:
0x2d2: {  	(pc) =	sbr.rel .LBB2_44-.Ltmp36, $2  }
0x2d3: {  	_ =	sdelay $0x2  }
0x2d4: {  	v2 =	vpsel p0, v2, v2;
	s5 =	smov.u32 @p0 s5  }
.LBB2_40:
.Ltmp37:
0x2d5: {  	(pc) =	sbr.rel .LBB2_44-.Ltmp37, $3  }
0x2d6: {  	_ =	sdelay $0x1  }
0x2d7: {  	s5 =	simm.s32 $0x0  }
0x2d8: {  	v2 =	vpsel p0, v2, v2;
	s5 =	simm.s32 @p0 $0x0  }
.LBB2_46:
0x2d9: {  	_ =	sfence.sel $0x180000  }
0x2da: {  	[bflag:$0x0] =	sbarrier.arrive $0xFFFF  }
0x2db: {  	_ =	strace $0x90000047  }
0x2dc: {  	s0 =	stileid.u32;
	[bflag:$0x2] =	sbarrier.arrive $0xFFFF  }
0x2dd: {  	p0 =	sne.s32 s0, $0x0;
	s0 =	rddreg [dreg:$0x3]  }
0x2de: {  	s0 =	sadd.s32 @!p0 $0x100000, s0  }
0x2df: {  	[sflag:s0] =	ssyncadd.tile.s32 @!p0 $0x1;
	_ =	shalt  }
.Lfunc_end2:
_tile_overlayer_lowered:
.L_overlay_start_2:
0x2e0: {  	(tag) =	ssettag $0x2  }
0x2e1: {  	s0 =	rddreg [dreg:$0x0];
	s2 =	stileid.u32  }
0x2e2: {  	s1 =	rddreg [dreg:$0x1];
	p0 =	sne.s32 s2, $0x0  }
0x2e3: {  	s3 =	rddreg [dreg:$0x2];
	[bflag:$0x3] =	sbarrier.arrive $0xFFFF;
	s2 =	simm.s32 @!p0 $0x1C02  }
0x2e4: {  	[timem:s3], [sflag:s2] =	dma.local @!p0 [hbm:s0], s1  }
0x2e5: {  	s0 =	simm.s32 @!p0 $0x2  }
0x2e6: {  	_ =	swait.ge @!p0 [sflag:s0], s1  }
0x2e7: {  	s1 =	ssub.s32 @!p0 $0x0, s1;
	[sflag:s0] =	ssyncset.done @!p0 $0x0  }
0x2e8: {  	[sflag:s0] =	ssyncadd.s32 @!p0 s1  }
0x2e9: {  	[bflag:$0x3] =	sbarrier.arrive $0xFFFF  }
0x2ea: {  	_ =	shalt  }

</sc_bundles>
